<compile_context>
chip_gen: v7x
topology: tpu7x:2x2x1
jax: 0.10.2.dev20260603
libtpu: 0.0.44.dev20260713+nightly
codegen_flags: <defaults>
</compile_context>

<pallas_src>
import functools

import jax
import jax.numpy as jnp
from jax import lax
from jax.experimental import pallas as pl
from jax.experimental.pallas import tpu as pltpu
from jax.experimental.pallas import tpu_sc as plsc

N = 32768
D = 768
E = 8
NW = 32
CHUNK = 48
GROUPS = CHUNK // 16

N_SC = 15360
N_TC = N - N_SC
TC_BLK = 1024


def _make_sc_call(n_rows):
    ROWS_W = n_rows // NW
    NCHUNK = ROWS_W // CHUNK
    mesh = plsc.VectorSubcoreMesh(core_axis_name="c", subcore_axis_name="s")

    @functools.partial(
        pl.kernel,
        out_type=jax.ShapeDtypeStruct((n_rows,), jnp.float32),
        mesh=mesh,
        scratch_types=[
            pltpu.VMEM((E, D), jnp.float32),
            pltpu.VMEM((16,), jnp.float32),
            pltpu.VMEM((ROWS_W,), jnp.int32),
            pltpu.VMEM((ROWS_W,), jnp.float32),
            pltpu.VMEM((CHUNK, D), jnp.float32),
            pltpu.VMEM((CHUNK, D), jnp.float32),
            pltpu.SemaphoreType.DMA,
            pltpu.SemaphoreType.DMA,
        ],
        compiler_params=pltpu.CompilerParams(needs_layout_passes=False),
    )
    def run(element_hbm, desc_hbm, w_hbm, b_hbm, out_hbm,
            w_v, b_v, e_v, o_v, dbuf0, dbuf1, sem0, sem1):
        nc = 2
        wid = lax.axis_index("s") * nc + lax.axis_index("c")
        base = wid * ROWS_W

        pltpu.sync_copy(w_hbm, w_v)
        pltpu.sync_copy(b_hbm, b_v.at[pl.ds(0, E)])
        pltpu.sync_copy(element_hbm.at[pl.ds(base, ROWS_W)], e_v)

        lane = lax.iota(jnp.int32, 16)
        zero16 = jnp.zeros((16,), jnp.float32)

        def do_group(dbuf, row0, buf_row0):
            e_vec = e_v[pl.ds(row0, 16)]
            bias_vec = plsc.load_gather(b_v, [e_vec])
            erow = [jnp.max(jnp.where(lane == r, e_vec, 0))
                    for r in range(16)]

            def blk(i, accs):
                accs = list(accs)
                off = i * 16
                for r in range(16):
                    d = dbuf[buf_row0 + r, pl.ds(off, 16)]
                    w = w_v[erow[r], pl.ds(off, 16)]
                    accs[r] = accs[r] + d * w
                return tuple(accs)

            accs = lax.fori_loop(0, D // 16, blk, (zero16,) * 16)
            out_vec = bias_vec
            for r in range(16):
                s = jnp.sum(accs[r])
                out_vec = jnp.where(lane == r, bias_vec + s, out_vec)
            o_v[pl.ds(row0, 16)] = out_vec

        pltpu.async_copy(
            desc_hbm.at[pl.ds(base, CHUNK), :], dbuf0, sem0)
        pltpu.async_copy(
            desc_hbm.at[pl.ds(base + CHUNK, CHUNK), :], dbuf1, sem1)

        def chunk_pair(i, carry):
            for half, (buf, sem) in enumerate(((dbuf0, sem0), (dbuf1, sem1))):
                k = 2 * i + half
                pltpu.make_async_copy(
                    desc_hbm.at[pl.ds(0, CHUNK), :], buf, sem).wait()

                def groups(g, c, buf=buf, k=k):
                    do_group(buf, k * CHUNK + g * 16, g * 16)
                    return c

                lax.fori_loop(0, GROUPS, groups, 0)

                nk = k + 2

                @pl.when(nk < NCHUNK)
                def _(buf=buf, sem=sem, nk=nk):
                    pltpu.async_copy(
                        desc_hbm.at[pl.ds(base + nk * CHUNK, CHUNK), :],
                        buf, sem)
            return carry

        lax.fori_loop(0, NCHUNK // 2, chunk_pair, 0)

        pltpu.sync_copy(o_v, out_hbm.at[pl.ds(base, ROWS_W)])

    return run


_sc_call = _make_sc_call(N_SC)


def _tc_body(e_ref, d_ref, w_ref, b_ref, o_ref):
    mat = jax.lax.dot_general(
        d_ref[...], w_ref[...], (((1,), (1,)), ((), ())),
        preferred_element_type=jnp.float32)
    e = e_ref[...]
    cols = lax.broadcasted_iota(jnp.int32, (TC_BLK, E), 1)
    sel = cols == e[:, None]
    o_ref[...] = jnp.sum(
        jnp.where(sel, mat + b_ref[...], 0.0), axis=1)


_TC_OFF = N_SC // TC_BLK

_tc_call = pl.pallas_call(
    _tc_body,
    grid=(N_TC // TC_BLK,),
    in_specs=[
        pl.BlockSpec((TC_BLK,), lambda i: (i + _TC_OFF,)),
        pl.BlockSpec((TC_BLK, D), lambda i: (i + _TC_OFF, 0)),
        pl.BlockSpec((E, D), lambda i: (0, 0)),
        pl.BlockSpec((1, E), lambda i: (0, 0)),
    ],
    out_specs=pl.BlockSpec((TC_BLK,), lambda i: (i,)),
    out_shape=jax.ShapeDtypeStruct((N_TC,), jnp.float32),
)


def kernel(element, desc, W, b):
    out_sc = _sc_call(element, desc, W, b)
    out_tc = _tc_call(element, desc, W, b.reshape(1, E))
    return jnp.concatenate([out_sc, out_tc])

# --- scband reference (transcript-rebuilt; emitter-appended) ---
"""Pipeline reference for scband-per-element-module-41154376630635 (READ-ONLY COPY).

The authoritative reference and input builder live on the scoring server;
editing this copy changes nothing except your own understanding.
"""

import jax, jax.numpy as jnp
import numpy as np

N = 32768  # rows (atoms/tokens)
D = 768    # descriptor dim
E = 8      # number of per-element expert models


def setup_inputs(seed: int = 0) -> dict:
    key = jax.random.key(seed)
    k1, k2, k3, k4 = jax.random.split(key, 4)
    element = jax.random.randint(k1, (N,), 0, E, dtype=jnp.int32)
    desc = jax.random.normal(k2, (N, D), dtype=jnp.float32)
    # Per-element expert parameters: each model is Linear(D -> 1)
    W = jax.random.normal(k3, (E, D), dtype=jnp.float32) * 0.02
    b = jax.random.normal(k4, (E,), dtype=jnp.float32) * 0.02
    return {"element": element, "desc": desc, "W": W, "b": b}


def reference(element, desc, W, b):
    # Torch module loops over experts and masked-assigns:
    #   output[mask] = model_e(desc[mask, :])
    # With each model_e = Linear(D, 1), this is mathematically identical to
    # gathering the per-row expert weights and doing a per-row dot product:
    #   out[i] = desc[i] @ W[element[i]] + b[element[i]]
    W_sel = jnp.take(W, element, axis=0)   # [N, D] gather (SparseCore-friendly)
    b_sel = jnp.take(b, element, axis=0)   # [N]
    out = jnp.sum(desc * W_sel, axis=1) + b_sel  # [N]
    return out

if __name__ == "__main__":
    import jax
    _d = setup_inputs()
    print(jax.jit(kernel)(*tuple(_d.values())))

</pallas_src>

<mosaic_0001>
#map = affine_map<(d0, d1) -> (0)>
#map1 = affine_map<(d0, d1) -> (0, 0)>
module attributes {stable_mosaic.version = 14 : i64} {
  func.func @run(%arg0: i32, %arg1: i32, %arg2: memref<32768xi32, #tpu.memory_space<hbm>>, %arg3: memref<32768x768xf32, #tpu.memory_space<hbm>>, %arg4: memref<8x768xf32, #tpu.memory_space<hbm>>, %arg5: memref<8xf32, #tpu.memory_space<hbm>>, %arg6: memref<15360xf32, #tpu.memory_space<hbm>>, %arg7: memref<8x768xf32, #tpu.memory_space<vmem>>, %arg8: memref<16xf32, #tpu.memory_space<vmem>>, %arg9: memref<480xi32, #tpu.memory_space<vmem>>, %arg10: memref<480xf32, #tpu.memory_space<vmem>>, %arg11: memref<48x768xf32, #tpu.memory_space<vmem>>, %arg12: memref<48x768xf32, #tpu.memory_space<vmem>>, %arg13: memref<!tpu.dma_semaphore, #tpu.memory_space<semaphore_mem>>, %arg14: memref<!tpu.dma_semaphore, #tpu.memory_space<semaphore_mem>>) attributes {dimension_semantics = [#tpu.dimension_semantics<core_parallel>, #tpu.dimension_semantics<subcore_parallel>], iteration_bounds = array<i64: 2, 16>, scalar_prefetch = 0 : i64, scratch_operands = 8 : i64, tpu.core_type = #tpu.core_type<sc_vector_subcore>, window_params = [{transform_indices = #map}, {transform_indices = #map1}, {transform_indices = #map1}, {transform_indices = #map}, {transform_indices = #map}]} {
    %mul3A = arith.constant 2 : i32
    %mul3A_0 = arith.muli %arg1, %mul3A : i32
    %add3A = arith.addi %mul3A_0, %arg0 : i32
    %mul3A_1 = arith.constant 480 : i32
    %mul3A_2 = arith.muli %add3A, %mul3A_1 : i32
    "tpu.region"() ({
      %run_scoped3A = tpu.sem_alloc : memref<!tpu.dma_semaphore, #tpu.memory_space<semaphore_mem>>
      tpu.enqueue_dma source(%arg4 : memref<8x768xf32, #tpu.memory_space<hbm>>) target(%arg7 : memref<8x768xf32, #tpu.memory_space<vmem>>) target_semaphore(%run_scoped3A : memref<!tpu.dma_semaphore, #tpu.memory_space<semaphore_mem>>)
      tpu.wait_dma2 semaphore(%run_scoped3A : memref<!tpu.dma_semaphore, #tpu.memory_space<semaphore_mem>>) src(%arg4 : memref<8x768xf32, #tpu.memory_space<hbm>>) dst(%arg7 : memref<8x768xf32, #tpu.memory_space<vmem>>)
      tpu.yield
    }) : () -> ()
    "tpu.region"() ({
      %run_scoped3A = tpu.sem_alloc : memref<!tpu.dma_semaphore, #tpu.memory_space<semaphore_mem>>
      %dma_start3A_18 = arith.constant 0 : i32
      %dma_start3A_19 = tpu.memref_slice %arg8[%dma_start3A_18] : memref<16xf32, #tpu.memory_space<vmem>> -> memref<8xf32, #tpu.memory_space<vmem>>
      %dma_start3A_20 = arith.constant 0 : i32
      %dma_start3A_21 = tpu.memref_slice %arg8[%dma_start3A_20] : memref<16xf32, #tpu.memory_space<vmem>> -> memref<8xf32, #tpu.memory_space<vmem>>
      tpu.enqueue_dma source(%arg5 : memref<8xf32, #tpu.memory_space<hbm>>) target(%dma_start3A_21 : memref<8xf32, #tpu.memory_space<vmem>>) target_semaphore(%run_scoped3A : memref<!tpu.dma_semaphore, #tpu.memory_space<semaphore_mem>>)
      %dma_wait3A = arith.constant 0 : i32
      %dma_wait3A_22 = tpu.memref_slice %arg8[%dma_wait3A] : memref<16xf32, #tpu.memory_space<vmem>> -> memref<8xf32, #tpu.memory_space<vmem>>
      %dma_wait3A_23 = arith.constant 0 : i32
      %dma_wait3A_24 = tpu.memref_slice %arg8[%dma_wait3A_23] : memref<16xf32, #tpu.memory_space<vmem>> -> memref<8xf32, #tpu.memory_space<vmem>>
      tpu.wait_dma2 semaphore(%run_scoped3A : memref<!tpu.dma_semaphore, #tpu.memory_space<semaphore_mem>>) src(%arg5 : memref<8xf32, #tpu.memory_space<hbm>>) dst(%dma_wait3A_24 : memref<8xf32, #tpu.memory_space<vmem>>)
      tpu.yield
    }) : () -> ()
    "tpu.region"() ({
      %run_scoped3A = tpu.sem_alloc : memref<!tpu.dma_semaphore, #tpu.memory_space<semaphore_mem>>
      %dma_start3A_18 = tpu.memref_slice %arg2[%mul3A_2] : memref<32768xi32, #tpu.memory_space<hbm>> -> memref<480xi32, #tpu.memory_space<hbm>>
      %dma_start3A_19 = tpu.memref_slice %arg2[%mul3A_2] : memref<32768xi32, #tpu.memory_space<hbm>> -> memref<480xi32, #tpu.memory_space<hbm>>
      tpu.enqueue_dma source(%dma_start3A_19 : memref<480xi32, #tpu.memory_space<hbm>>) target(%arg9 : memref<480xi32, #tpu.memory_space<vmem>>) target_semaphore(%run_scoped3A : memref<!tpu.dma_semaphore, #tpu.memory_space<semaphore_mem>>)
      %dma_wait3A = tpu.memref_slice %arg2[%mul3A_2] : memref<32768xi32, #tpu.memory_space<hbm>> -> memref<480xi32, #tpu.memory_space<hbm>>
      %dma_wait3A_20 = tpu.memref_slice %arg2[%mul3A_2] : memref<32768xi32, #tpu.memory_space<hbm>> -> memref<480xi32, #tpu.memory_space<hbm>>
      tpu.wait_dma2 semaphore(%run_scoped3A : memref<!tpu.dma_semaphore, #tpu.memory_space<semaphore_mem>>) src(%dma_wait3A_20 : memref<480xi32, #tpu.memory_space<hbm>>) dst(%arg9 : memref<480xi32, #tpu.memory_space<vmem>>)
      tpu.yield
    }) : () -> ()
    %iota3A = tpu.iota {dimensions = array<i32: 0>} : vector<16xi32>
    %broadcast_in_dim3A = arith.constant 0.000000e+00 : f32
    %broadcast_in_dim3A_3 = vector.broadcast %broadcast_in_dim3A : f32 to vector<16xf32>
    %dma_start3A = arith.constant 0 : i32
    %dma_start3A_4 = tpu.memref_slice %arg3[%mul3A_2, %dma_start3A] : memref<32768x768xf32, #tpu.memory_space<hbm>> -> memref<48x768xf32, #tpu.memory_space<hbm>>
    %dma_start3A_5 = arith.constant 0 : i32
    %dma_start3A_6 = tpu.memref_slice %arg3[%mul3A_2, %dma_start3A_5] : memref<32768x768xf32, #tpu.memory_space<hbm>> -> memref<48x768xf32, #tpu.memory_space<hbm>>
    tpu.enqueue_dma source(%dma_start3A_6 : memref<48x768xf32, #tpu.memory_space<hbm>>) target(%arg11 : memref<48x768xf32, #tpu.memory_space<vmem>>) target_semaphore(%arg13 : memref<!tpu.dma_semaphore, #tpu.memory_space<semaphore_mem>>)
    %add3A_7 = arith.constant 48 : i32
    %add3A_8 = arith.addi %mul3A_2, %add3A_7 : i32
    %dma_start3A_9 = arith.constant 0 : i32
    %dma_start3A_10 = tpu.memref_slice %arg3[%add3A_8, %dma_start3A_9] : memref<32768x768xf32, #tpu.memory_space<hbm>> -> memref<48x768xf32, #tpu.memory_space<hbm>>
    %dma_start3A_11 = arith.constant 0 : i32
    %dma_start3A_12 = tpu.memref_slice %arg3[%add3A_8, %dma_start3A_11] : memref<32768x768xf32, #tpu.memory_space<hbm>> -> memref<48x768xf32, #tpu.memory_space<hbm>>
    tpu.enqueue_dma source(%dma_start3A_12 : memref<48x768xf32, #tpu.memory_space<hbm>>) target(%arg12 : memref<48x768xf32, #tpu.memory_space<vmem>>) target_semaphore(%arg14 : memref<!tpu.dma_semaphore, #tpu.memory_space<semaphore_mem>>)
    %scan3A = arith.constant 0 : i32
    %scan3A_13 = arith.constant 0 : i32
    %scan3A_14 = arith.constant 5 : i32
    %scan3A_15 = arith.addi %scan3A_13, %scan3A_14 : i32
    %scan3A_16 = arith.constant 1 : i32
    scf.for %scan3A_18 = %scan3A_13 to %scan3A_15 step %scan3A_16  : i32 {
      %mul3A_19 = arith.constant 2 : i32
      %mul3A_20 = arith.muli %mul3A_19, %scan3A_18 : i32
      %add3A_21 = arith.constant 0 : i32
      %add3A_22 = arith.addi %mul3A_20, %add3A_21 : i32
      %dma_wait3A = arith.constant 0 : i32
      %dma_wait3A_23 = arith.constant 0 : i32
      %dma_wait3A_24 = tpu.memref_slice %arg3[%dma_wait3A, %dma_wait3A_23] : memref<32768x768xf32, #tpu.memory_space<hbm>> -> memref<48x768xf32, #tpu.memory_space<hbm>>
      %dma_wait3A_25 = arith.constant 0 : i32
      %dma_wait3A_26 = arith.constant 0 : i32
      %dma_wait3A_27 = tpu.memref_slice %arg3[%dma_wait3A_25, %dma_wait3A_26] : memref<32768x768xf32, #tpu.memory_space<hbm>> -> memref<48x768xf32, #tpu.memory_space<hbm>>
      tpu.wait_dma2 semaphore(%arg13 : memref<!tpu.dma_semaphore, #tpu.memory_space<semaphore_mem>>) src(%dma_wait3A_27 : memref<48x768xf32, #tpu.memory_space<hbm>>) dst(%arg11 : memref<48x768xf32, #tpu.memory_space<vmem>>)
      %scan3A_28 = arith.constant 0 : i32
      %scan3A_29 = arith.constant 0 : i32
      %scan3A_30 = arith.constant 3 : i32
      %scan3A_31 = arith.addi %scan3A_29, %scan3A_30 : i32
      %scan3A_32 = arith.constant 1 : i32
      scf.for %scan3A_61 = %scan3A_29 to %scan3A_31 step %scan3A_32  : i32 {
        %mul3A_62 = arith.constant 48 : i32
        %mul3A_63 = arith.muli %add3A_22, %mul3A_62 : i32
        %mul3A_64 = arith.constant 16 : i32
        %mul3A_65 = arith.muli %scan3A_61, %mul3A_64 : i32
        %add3A_66 = arith.addi %mul3A_63, %mul3A_65 : i32
        %mul3A_67 = arith.constant 16 : i32
        %mul3A_68 = arith.muli %scan3A_61, %mul3A_67 : i32
        %get3A = arith.index_cast %add3A_66 : i32 to index
        %get3A_69 = tpu.vector_load %arg9[%get3A] {strides = array<i32>} : memref<480xi32, #tpu.memory_space<vmem>>, vector<16xi32>,
        %gather3A = tpu.vector_load_idx %arg8[%get3A_69] : memref<16xf32, #tpu.memory_space<vmem>>[vector<16xi32>], vector<16xf32>,
        %eq3A = arith.constant 0 : i32
        %eq3A_70 = vector.broadcast %eq3A : i32 to vector<16xi32>
        %eq3A_71 = arith.cmpi eq, %iota3A, %eq3A_70 : vector<16xi32>
        %jit3A = arith.constant 0 : i32
        %broadcast_in_dim3A_72 = vector.broadcast %jit3A : i32 to vector<16xi32>
        %select_n3A = arith.select %eq3A_71, %get3A_69, %broadcast_in_dim3A_72 : vector<16xi1>, vector<16xi32>
        %reduce_max3A = arith.constant true
        %reduce_max3A_73 = vector.broadcast %reduce_max3A : i1 to vector<16xi1>
        %reduce_max3A_74 = arith.constant -2147483648 : i32
        %reduce_max3A_75 = vector.broadcast %reduce_max3A_74 : i32 to vector<16xi32>
        %reduce_max3A_76 = arith.xori %select_n3A, %reduce_max3A_75 : vector<16xi32>
        %reduce_max3A_77 = tpu.scan <max>, %reduce_max3A_76 masked %reduce_max3A_73 : vector<16xi32>, vector<16xi1> -> vector<16xi32>
        %reduce_max3A_78 = arith.xori %reduce_max3A_77, %reduce_max3A_75 : vector<16xi32>
        %reduce_max3A_79 = vector.extract %reduce_max3A_78[15] : i32 from vector<16xi32>
        %eq3A_80 = arith.constant 1 : i32
        %eq3A_81 = vector.broadcast %eq3A_80 : i32 to vector<16xi32>
        %eq3A_82 = arith.cmpi eq, %iota3A, %eq3A_81 : vector<16xi32>
        %jit3A_83 = arith.constant 0 : i32
        %broadcast_in_dim3A_84 = vector.broadcast %jit3A_83 : i32 to vector<16xi32>
        %select_n3A_85 = arith.select %eq3A_82, %get3A_69, %broadcast_in_dim3A_84 : vector<16xi1>, vector<16xi32>
        %reduce_max3A_86 = arith.constant true
        %reduce_max3A_87 = vector.broadcast %reduce_max3A_86 : i1 to vector<16xi1>
        %reduce_max3A_88 = arith.constant -2147483648 : i32
        %reduce_max3A_89 = vector.broadcast %reduce_max3A_88 : i32 to vector<16xi32>
        %reduce_max3A_90 = arith.xori %select_n3A_85, %reduce_max3A_89 : vector<16xi32>
        %reduce_max3A_91 = tpu.scan <max>, %reduce_max3A_90 masked %reduce_max3A_87 : vector<16xi32>, vector<16xi1> -> vector<16xi32>
        %reduce_max3A_92 = arith.xori %reduce_max3A_91, %reduce_max3A_89 : vector<16xi32>
        %reduce_max3A_93 = vector.extract %reduce_max3A_92[15] : i32 from vector<16xi32>
        %eq3A_94 = arith.constant 2 : i32
        %eq3A_95 = vector.broadcast %eq3A_94 : i32 to vector<16xi32>
        %eq3A_96 = arith.cmpi eq, %iota3A, %eq3A_95 : vector<16xi32>
        %jit3A_97 = arith.constant 0 : i32
        %broadcast_in_dim3A_98 = vector.broadcast %jit3A_97 : i32 to vector<16xi32>
        %select_n3A_99 = arith.select %eq3A_96, %get3A_69, %broadcast_in_dim3A_98 : vector<16xi1>, vector<16xi32>
        %reduce_max3A_100 = arith.constant true
        %reduce_max3A_101 = vector.broadcast %reduce_max3A_100 : i1 to vector<16xi1>
        %reduce_max3A_102 = arith.constant -2147483648 : i32
        %reduce_max3A_103 = vector.broadcast %reduce_max3A_102 : i32 to vector<16xi32>
        %reduce_max3A_104 = arith.xori %select_n3A_99, %reduce_max3A_103 : vector<16xi32>
        %reduce_max3A_105 = tpu.scan <max>, %reduce_max3A_104 masked %reduce_max3A_101 : vector<16xi32>, vector<16xi1> -> vector<16xi32>
        %reduce_max3A_106 = arith.xori %reduce_max3A_105, %reduce_max3A_103 : vector<16xi32>
        %reduce_max3A_107 = vector.extract %reduce_max3A_106[15] : i32 from vector<16xi32>
        %eq3A_108 = arith.constant 3 : i32
        %eq3A_109 = vector.broadcast %eq3A_108 : i32 to vector<16xi32>
        %eq3A_110 = arith.cmpi eq, %iota3A, %eq3A_109 : vector<16xi32>
        %jit3A_111 = arith.constant 0 : i32
        %broadcast_in_dim3A_112 = vector.broadcast %jit3A_111 : i32 to vector<16xi32>
        %select_n3A_113 = arith.select %eq3A_110, %get3A_69, %broadcast_in_dim3A_112 : vector<16xi1>, vector<16xi32>
        %reduce_max3A_114 = arith.constant true
        %reduce_max3A_115 = vector.broadcast %reduce_max3A_114 : i1 to vector<16xi1>
        %reduce_max3A_116 = arith.constant -2147483648 : i32
        %reduce_max3A_117 = vector.broadcast %reduce_max3A_116 : i32 to vector<16xi32>
        %reduce_max3A_118 = arith.xori %select_n3A_113, %reduce_max3A_117 : vector<16xi32>
        %reduce_max3A_119 = tpu.scan <max>, %reduce_max3A_118 masked %reduce_max3A_115 : vector<16xi32>, vector<16xi1> -> vector<16xi32>
        %reduce_max3A_120 = arith.xori %reduce_max3A_119, %reduce_max3A_117 : vector<16xi32>
        %reduce_max3A_121 = vector.extract %reduce_max3A_120[15] : i32 from vector<16xi32>
        %eq3A_122 = arith.constant 4 : i32
        %eq3A_123 = vector.broadcast %eq3A_122 : i32 to vector<16xi32>
        %eq3A_124 = arith.cmpi eq, %iota3A, %eq3A_123 : vector<16xi32>
        %jit3A_125 = arith.constant 0 : i32
        %broadcast_in_dim3A_126 = vector.broadcast %jit3A_125 : i32 to vector<16xi32>
        %select_n3A_127 = arith.select %eq3A_124, %get3A_69, %broadcast_in_dim3A_126 : vector<16xi1>, vector<16xi32>
        %reduce_max3A_128 = arith.constant true
        %reduce_max3A_129 = vector.broadcast %reduce_max3A_128 : i1 to vector<16xi1>
        %reduce_max3A_130 = arith.constant -2147483648 : i32
        %reduce_max3A_131 = vector.broadcast %reduce_max3A_130 : i32 to vector<16xi32>
        %reduce_max3A_132 = arith.xori %select_n3A_127, %reduce_max3A_131 : vector<16xi32>
        %reduce_max3A_133 = tpu.scan <max>, %reduce_max3A_132 masked %reduce_max3A_129 : vector<16xi32>, vector<16xi1> -> vector<16xi32>
        %reduce_max3A_134 = arith.xori %reduce_max3A_133, %reduce_max3A_131 : vector<16xi32>
        %reduce_max3A_135 = vector.extract %reduce_max3A_134[15] : i32 from vector<16xi32>
        %eq3A_136 = arith.constant 5 : i32
        %eq3A_137 = vector.broadcast %eq3A_136 : i32 to vector<16xi32>
        %eq3A_138 = arith.cmpi eq, %iota3A, %eq3A_137 : vector<16xi32>
        %jit3A_139 = arith.constant 0 : i32
        %broadcast_in_dim3A_140 = vector.broadcast %jit3A_139 : i32 to vector<16xi32>
        %select_n3A_141 = arith.select %eq3A_138, %get3A_69, %broadcast_in_dim3A_140 : vector<16xi1>, vector<16xi32>
        %reduce_max3A_142 = arith.constant true
        %reduce_max3A_143 = vector.broadcast %reduce_max3A_142 : i1 to vector<16xi1>
        %reduce_max3A_144 = arith.constant -2147483648 : i32
        %reduce_max3A_145 = vector.broadcast %reduce_max3A_144 : i32 to vector<16xi32>
        %reduce_max3A_146 = arith.xori %select_n3A_141, %reduce_max3A_145 : vector<16xi32>
        %reduce_max3A_147 = tpu.scan <max>, %reduce_max3A_146 masked %reduce_max3A_143 : vector<16xi32>, vector<16xi1> -> vector<16xi32>
        %reduce_max3A_148 = arith.xori %reduce_max3A_147, %reduce_max3A_145 : vector<16xi32>
        %reduce_max3A_149 = vector.extract %reduce_max3A_148[15] : i32 from vector<16xi32>
        %eq3A_150 = arith.constant 6 : i32
        %eq3A_151 = vector.broadcast %eq3A_150 : i32 to vector<16xi32>
        %eq3A_152 = arith.cmpi eq, %iota3A, %eq3A_151 : vector<16xi32>
        %jit3A_153 = arith.constant 0 : i32
        %broadcast_in_dim3A_154 = vector.broadcast %jit3A_153 : i32 to vector<16xi32>
        %select_n3A_155 = arith.select %eq3A_152, %get3A_69, %broadcast_in_dim3A_154 : vector<16xi1>, vector<16xi32>
        %reduce_max3A_156 = arith.constant true
        %reduce_max3A_157 = vector.broadcast %reduce_max3A_156 : i1 to vector<16xi1>
        %reduce_max3A_158 = arith.constant -2147483648 : i32
        %reduce_max3A_159 = vector.broadcast %reduce_max3A_158 : i32 to vector<16xi32>
        %reduce_max3A_160 = arith.xori %select_n3A_155, %reduce_max3A_159 : vector<16xi32>
        %reduce_max3A_161 = tpu.scan <max>, %reduce_max3A_160 masked %reduce_max3A_157 : vector<16xi32>, vector<16xi1> -> vector<16xi32>
        %reduce_max3A_162 = arith.xori %reduce_max3A_161, %reduce_max3A_159 : vector<16xi32>
        %reduce_max3A_163 = vector.extract %reduce_max3A_162[15] : i32 from vector<16xi32>
        %eq3A_164 = arith.constant 7 : i32
        %eq3A_165 = vector.broadcast %eq3A_164 : i32 to vector<16xi32>
        %eq3A_166 = arith.cmpi eq, %iota3A, %eq3A_165 : vector<16xi32>
        %jit3A_167 = arith.constant 0 : i32
        %broadcast_in_dim3A_168 = vector.broadcast %jit3A_167 : i32 to vector<16xi32>
        %select_n3A_169 = arith.select %eq3A_166, %get3A_69, %broadcast_in_dim3A_168 : vector<16xi1>, vector<16xi32>
        %reduce_max3A_170 = arith.constant true
        %reduce_max3A_171 = vector.broadcast %reduce_max3A_170 : i1 to vector<16xi1>
        %reduce_max3A_172 = arith.constant -2147483648 : i32
        %reduce_max3A_173 = vector.broadcast %reduce_max3A_172 : i32 to vector<16xi32>
        %reduce_max3A_174 = arith.xori %select_n3A_169, %reduce_max3A_173 : vector<16xi32>
        %reduce_max3A_175 = tpu.scan <max>, %reduce_max3A_174 masked %reduce_max3A_171 : vector<16xi32>, vector<16xi1> -> vector<16xi32>
        %reduce_max3A_176 = arith.xori %reduce_max3A_175, %reduce_max3A_173 : vector<16xi32>
        %reduce_max3A_177 = vector.extract %reduce_max3A_176[15] : i32 from vector<16xi32>
        %eq3A_178 = arith.constant 8 : i32
        %eq3A_179 = vector.broadcast %eq3A_178 : i32 to vector<16xi32>
        %eq3A_180 = arith.cmpi eq, %iota3A, %eq3A_179 : vector<16xi32>
        %jit3A_181 = arith.constant 0 : i32
        %broadcast_in_dim3A_182 = vector.broadcast %jit3A_181 : i32 to vector<16xi32>
        %select_n3A_183 = arith.select %eq3A_180, %get3A_69, %broadcast_in_dim3A_182 : vector<16xi1>, vector<16xi32>
        %reduce_max3A_184 = arith.constant true
        %reduce_max3A_185 = vector.broadcast %reduce_max3A_184 : i1 to vector<16xi1>
        %reduce_max3A_186 = arith.constant -2147483648 : i32
        %reduce_max3A_187 = vector.broadcast %reduce_max3A_186 : i32 to vector<16xi32>
        %reduce_max3A_188 = arith.xori %select_n3A_183, %reduce_max3A_187 : vector<16xi32>
        %reduce_max3A_189 = tpu.scan <max>, %reduce_max3A_188 masked %reduce_max3A_185 : vector<16xi32>, vector<16xi1> -> vector<16xi32>
        %reduce_max3A_190 = arith.xori %reduce_max3A_189, %reduce_max3A_187 : vector<16xi32>
        %reduce_max3A_191 = vector.extract %reduce_max3A_190[15] : i32 from vector<16xi32>
        %eq3A_192 = arith.constant 9 : i32
        %eq3A_193 = vector.broadcast %eq3A_192 : i32 to vector<16xi32>
        %eq3A_194 = arith.cmpi eq, %iota3A, %eq3A_193 : vector<16xi32>
        %jit3A_195 = arith.constant 0 : i32
        %broadcast_in_dim3A_196 = vector.broadcast %jit3A_195 : i32 to vector<16xi32>
        %select_n3A_197 = arith.select %eq3A_194, %get3A_69, %broadcast_in_dim3A_196 : vector<16xi1>, vector<16xi32>
        %reduce_max3A_198 = arith.constant true
        %reduce_max3A_199 = vector.broadcast %reduce_max3A_198 : i1 to vector<16xi1>
        %reduce_max3A_200 = arith.constant -2147483648 : i32
        %reduce_max3A_201 = vector.broadcast %reduce_max3A_200 : i32 to vector<16xi32>
        %reduce_max3A_202 = arith.xori %select_n3A_197, %reduce_max3A_201 : vector<16xi32>
        %reduce_max3A_203 = tpu.scan <max>, %reduce_max3A_202 masked %reduce_max3A_199 : vector<16xi32>, vector<16xi1> -> vector<16xi32>
        %reduce_max3A_204 = arith.xori %reduce_max3A_203, %reduce_max3A_201 : vector<16xi32>
        %reduce_max3A_205 = vector.extract %reduce_max3A_204[15] : i32 from vector<16xi32>
        %eq3A_206 = arith.constant 10 : i32
        %eq3A_207 = vector.broadcast %eq3A_206 : i32 to vector<16xi32>
        %eq3A_208 = arith.cmpi eq, %iota3A, %eq3A_207 : vector<16xi32>
        %jit3A_209 = arith.constant 0 : i32
        %broadcast_in_dim3A_210 = vector.broadcast %jit3A_209 : i32 to vector<16xi32>
        %select_n3A_211 = arith.select %eq3A_208, %get3A_69, %broadcast_in_dim3A_210 : vector<16xi1>, vector<16xi32>
        %reduce_max3A_212 = arith.constant true
        %reduce_max3A_213 = vector.broadcast %reduce_max3A_212 : i1 to vector<16xi1>
        %reduce_max3A_214 = arith.constant -2147483648 : i32
        %reduce_max3A_215 = vector.broadcast %reduce_max3A_214 : i32 to vector<16xi32>
        %reduce_max3A_216 = arith.xori %select_n3A_211, %reduce_max3A_215 : vector<16xi32>
        %reduce_max3A_217 = tpu.scan <max>, %reduce_max3A_216 masked %reduce_max3A_213 : vector<16xi32>, vector<16xi1> -> vector<16xi32>
        %reduce_max3A_218 = arith.xori %reduce_max3A_217, %reduce_max3A_215 : vector<16xi32>
        %reduce_max3A_219 = vector.extract %reduce_max3A_218[15] : i32 from vector<16xi32>
        %eq3A_220 = arith.constant 11 : i32
        %eq3A_221 = vector.broadcast %eq3A_220 : i32 to vector<16xi32>
        %eq3A_222 = arith.cmpi eq, %iota3A, %eq3A_221 : vector<16xi32>
        %jit3A_223 = arith.constant 0 : i32
        %broadcast_in_dim3A_224 = vector.broadcast %jit3A_223 : i32 to vector<16xi32>
        %select_n3A_225 = arith.select %eq3A_222, %get3A_69, %broadcast_in_dim3A_224 : vector<16xi1>, vector<16xi32>
        %reduce_max3A_226 = arith.constant true
        %reduce_max3A_227 = vector.broadcast %reduce_max3A_226 : i1 to vector<16xi1>
        %reduce_max3A_228 = arith.constant -2147483648 : i32
        %reduce_max3A_229 = vector.broadcast %reduce_max3A_228 : i32 to vector<16xi32>
        %reduce_max3A_230 = arith.xori %select_n3A_225, %reduce_max3A_229 : vector<16xi32>
        %reduce_max3A_231 = tpu.scan <max>, %reduce_max3A_230 masked %reduce_max3A_227 : vector<16xi32>, vector<16xi1> -> vector<16xi32>
        %reduce_max3A_232 = arith.xori %reduce_max3A_231, %reduce_max3A_229 : vector<16xi32>
        %reduce_max3A_233 = vector.extract %reduce_max3A_232[15] : i32 from vector<16xi32>
        %eq3A_234 = arith.constant 12 : i32
        %eq3A_235 = vector.broadcast %eq3A_234 : i32 to vector<16xi32>
        %eq3A_236 = arith.cmpi eq, %iota3A, %eq3A_235 : vector<16xi32>
        %jit3A_237 = arith.constant 0 : i32
        %broadcast_in_dim3A_238 = vector.broadcast %jit3A_237 : i32 to vector<16xi32>
        %select_n3A_239 = arith.select %eq3A_236, %get3A_69, %broadcast_in_dim3A_238 : vector<16xi1>, vector<16xi32>
        %reduce_max3A_240 = arith.constant true
        %reduce_max3A_241 = vector.broadcast %reduce_max3A_240 : i1 to vector<16xi1>
        %reduce_max3A_242 = arith.constant -2147483648 : i32
        %reduce_max3A_243 = vector.broadcast %reduce_max3A_242 : i32 to vector<16xi32>
        %reduce_max3A_244 = arith.xori %select_n3A_239, %reduce_max3A_243 : vector<16xi32>
        %reduce_max3A_245 = tpu.scan <max>, %reduce_max3A_244 masked %reduce_max3A_241 : vector<16xi32>, vector<16xi1> -> vector<16xi32>
        %reduce_max3A_246 = arith.xori %reduce_max3A_245, %reduce_max3A_243 : vector<16xi32>
        %reduce_max3A_247 = vector.extract %reduce_max3A_246[15] : i32 from vector<16xi32>
        %eq3A_248 = arith.constant 13 : i32
        %eq3A_249 = vector.broadcast %eq3A_248 : i32 to vector<16xi32>
        %eq3A_250 = arith.cmpi eq, %iota3A, %eq3A_249 : vector<16xi32>
        %jit3A_251 = arith.constant 0 : i32
        %broadcast_in_dim3A_252 = vector.broadcast %jit3A_251 : i32 to vector<16xi32>
        %select_n3A_253 = arith.select %eq3A_250, %get3A_69, %broadcast_in_dim3A_252 : vector<16xi1>, vector<16xi32>
        %reduce_max3A_254 = arith.constant true
        %reduce_max3A_255 = vector.broadcast %reduce_max3A_254 : i1 to vector<16xi1>
        %reduce_max3A_256 = arith.constant -2147483648 : i32
        %reduce_max3A_257 = vector.broadcast %reduce_max3A_256 : i32 to vector<16xi32>
        %reduce_max3A_258 = arith.xori %select_n3A_253, %reduce_max3A_257 : vector<16xi32>
        %reduce_max3A_259 = tpu.scan <max>, %reduce_max3A_258 masked %reduce_max3A_255 : vector<16xi32>, vector<16xi1> -> vector<16xi32>
        %reduce_max3A_260 = arith.xori %reduce_max3A_259, %reduce_max3A_257 : vector<16xi32>
        %reduce_max3A_261 = vector.extract %reduce_max3A_260[15] : i32 from vector<16xi32>
        %eq3A_262 = arith.constant 14 : i32
        %eq3A_263 = vector.broadcast %eq3A_262 : i32 to vector<16xi32>
        %eq3A_264 = arith.cmpi eq, %iota3A, %eq3A_263 : vector<16xi32>
        %jit3A_265 = arith.constant 0 : i32
        %broadcast_in_dim3A_266 = vector.broadcast %jit3A_265 : i32 to vector<16xi32>
        %select_n3A_267 = arith.select %eq3A_264, %get3A_69, %broadcast_in_dim3A_266 : vector<16xi1>, vector<16xi32>
        %reduce_max3A_268 = arith.constant true
        %reduce_max3A_269 = vector.broadcast %reduce_max3A_268 : i1 to vector<16xi1>
        %reduce_max3A_270 = arith.constant -2147483648 : i32
        %reduce_max3A_271 = vector.broadcast %reduce_max3A_270 : i32 to vector<16xi32>
        %reduce_max3A_272 = arith.xori %select_n3A_267, %reduce_max3A_271 : vector<16xi32>
        %reduce_max3A_273 = tpu.scan <max>, %reduce_max3A_272 masked %reduce_max3A_269 : vector<16xi32>, vector<16xi1> -> vector<16xi32>
        %reduce_max3A_274 = arith.xori %reduce_max3A_273, %reduce_max3A_271 : vector<16xi32>
        %reduce_max3A_275 = vector.extract %reduce_max3A_274[15] : i32 from vector<16xi32>
        %eq3A_276 = arith.constant 15 : i32
        %eq3A_277 = vector.broadcast %eq3A_276 : i32 to vector<16xi32>
        %eq3A_278 = arith.cmpi eq, %iota3A, %eq3A_277 : vector<16xi32>
        %jit3A_279 = arith.constant 0 : i32
        %broadcast_in_dim3A_280 = vector.broadcast %jit3A_279 : i32 to vector<16xi32>
        %select_n3A_281 = arith.select %eq3A_278, %get3A_69, %broadcast_in_dim3A_280 : vector<16xi1>, vector<16xi32>
        %reduce_max3A_282 = arith.constant true
        %reduce_max3A_283 = vector.broadcast %reduce_max3A_282 : i1 to vector<16xi1>
        %reduce_max3A_284 = arith.constant -2147483648 : i32
        %reduce_max3A_285 = vector.broadcast %reduce_max3A_284 : i32 to vector<16xi32>
        %reduce_max3A_286 = arith.xori %select_n3A_281, %reduce_max3A_285 : vector<16xi32>
        %reduce_max3A_287 = tpu.scan <max>, %reduce_max3A_286 masked %reduce_max3A_283 : vector<16xi32>, vector<16xi1> -> vector<16xi32>
        %reduce_max3A_288 = arith.xori %reduce_max3A_287, %reduce_max3A_285 : vector<16xi32>
        %reduce_max3A_289 = vector.extract %reduce_max3A_288[15] : i32 from vector<16xi32>
        %scan3A_290 = arith.constant 0 : i32
        %scan3A_291 = arith.constant 48 : i32
        %scan3A_292 = arith.addi %scan3A_290, %scan3A_291 : i32
        %scan3A_293 = arith.constant 1 : i32
        %scan3A_294:16 = scf.for %scan3A_456 = %scan3A_290 to %scan3A_292 step %scan3A_293 iter_args(%scan3A_457 = %broadcast_in_dim3A_3, %scan3A_458 = %broadcast_in_dim3A_3, %scan3A_459 = %broadcast_in_dim3A_3, %scan3A_460 = %broadcast_in_dim3A_3, %scan3A_461 = %broadcast_in_dim3A_3, %scan3A_462 = %broadcast_in_dim3A_3, %scan3A_463 = %broadcast_in_dim3A_3, %scan3A_464 = %broadcast_in_dim3A_3, %scan3A_465 = %broadcast_in_dim3A_3, %scan3A_466 = %broadcast_in_dim3A_3, %scan3A_467 = %broadcast_in_dim3A_3, %scan3A_468 = %broadcast_in_dim3A_3, %scan3A_469 = %broadcast_in_dim3A_3, %scan3A_470 = %broadcast_in_dim3A_3, %scan3A_471 = %broadcast_in_dim3A_3, %scan3A_472 = %broadcast_in_dim3A_3) -> (vector<16xf32>, vector<16xf32>, vector<16xf32>, vector<16xf32>, vector<16xf32>, vector<16xf32>, vector<16xf32>, vector<16xf32>, vector<16xf32>, vector<16xf32>, vector<16xf32>, vector<16xf32>, vector<16xf32>, vector<16xf32>, vector<16xf32>, vector<16xf32>)  : i32 {
          %mul3A_473 = arith.constant 16 : i32
          %mul3A_474 = arith.muli %scan3A_456, %mul3A_473 : i32
          %add3A_475 = arith.constant 0 : i32
          %add3A_476 = arith.addi %mul3A_68, %add3A_475 : i32
          %get3A_477 = arith.index_cast %add3A_476 : i32 to index
          %get3A_478 = arith.index_cast %mul3A_474 : i32 to index
          %get3A_479 = tpu.vector_load %arg11[%get3A_477, %get3A_478] {strides = array<i32>} : memref<48x768xf32, #tpu.memory_space<vmem>>, vector<16xf32>,
          %get3A_480 = arith.index_cast %reduce_max3A_79 : i32 to index
          %get3A_481 = arith.index_cast %mul3A_474 : i32 to index
          %get3A_482 = tpu.vector_load %arg7[%get3A_480, %get3A_481] {strides = array<i32>} : memref<8x768xf32, #tpu.memory_space<vmem>>, vector<16xf32>,
          %mul3A_483 = arith.mulf %get3A_479, %get3A_482 : vector<16xf32>
          %add3A_484 = arith.addf %scan3A_457, %mul3A_483 : vector<16xf32>
          %add3A_485 = arith.constant 1 : i32
          %add3A_486 = arith.addi %mul3A_68, %add3A_485 : i32
          %get3A_487 = arith.index_cast %add3A_486 : i32 to index
          %get3A_488 = arith.index_cast %mul3A_474 : i32 to index
          %get3A_489 = tpu.vector_load %arg11[%get3A_487, %get3A_488] {strides = array<i32>} : memref<48x768xf32, #tpu.memory_space<vmem>>, vector<16xf32>,
          %get3A_490 = arith.index_cast %reduce_max3A_93 : i32 to index
          %get3A_491 = arith.index_cast %mul3A_474 : i32 to index
          %get3A_492 = tpu.vector_load %arg7[%get3A_490, %get3A_491] {strides = array<i32>} : memref<8x768xf32, #tpu.memory_space<vmem>>, vector<16xf32>,
          %mul3A_493 = arith.mulf %get3A_489, %get3A_492 : vector<16xf32>
          %add3A_494 = arith.addf %scan3A_458, %mul3A_493 : vector<16xf32>
          %add3A_495 = arith.constant 2 : i32
          %add3A_496 = arith.addi %mul3A_68, %add3A_495 : i32
          %get3A_497 = arith.index_cast %add3A_496 : i32 to index
          %get3A_498 = arith.index_cast %mul3A_474 : i32 to index
          %get3A_499 = tpu.vector_load %arg11[%get3A_497, %get3A_498] {strides = array<i32>} : memref<48x768xf32, #tpu.memory_space<vmem>>, vector<16xf32>,
          %get3A_500 = arith.index_cast %reduce_max3A_107 : i32 to index
          %get3A_501 = arith.index_cast %mul3A_474 : i32 to index
          %get3A_502 = tpu.vector_load %arg7[%get3A_500, %get3A_501] {strides = array<i32>} : memref<8x768xf32, #tpu.memory_space<vmem>>, vector<16xf32>,
          %mul3A_503 = arith.mulf %get3A_499, %get3A_502 : vector<16xf32>
          %add3A_504 = arith.addf %scan3A_459, %mul3A_503 : vector<16xf32>
          %add3A_505 = arith.constant 3 : i32
          %add3A_506 = arith.addi %mul3A_68, %add3A_505 : i32
          %get3A_507 = arith.index_cast %add3A_506 : i32 to index
          %get3A_508 = arith.index_cast %mul3A_474 : i32 to index
          %get3A_509 = tpu.vector_load %arg11[%get3A_507, %get3A_508] {strides = array<i32>} : memref<48x768xf32, #tpu.memory_space<vmem>>, vector<16xf32>,
          %get3A_510 = arith.index_cast %reduce_max3A_121 : i32 to index
          %get3A_511 = arith.index_cast %mul3A_474 : i32 to index
          %get3A_512 = tpu.vector_load %arg7[%get3A_510, %get3A_511] {strides = array<i32>} : memref<8x768xf32, #tpu.memory_space<vmem>>, vector<16xf32>,
          %mul3A_513 = arith.mulf %get3A_509, %get3A_512 : vector<16xf32>
          %add3A_514 = arith.addf %scan3A_460, %mul3A_513 : vector<16xf32>
          %add3A_515 = arith.constant 4 : i32
          %add3A_516 = arith.addi %mul3A_68, %add3A_515 : i32
          %get3A_517 = arith.index_cast %add3A_516 : i32 to index
          %get3A_518 = arith.index_cast %mul3A_474 : i32 to index
          %get3A_519 = tpu.vector_load %arg11[%get3A_517, %get3A_518] {strides = array<i32>} : memref<48x768xf32, #tpu.memory_space<vmem>>, vector<16xf32>,
          %get3A_520 = arith.index_cast %reduce_max3A_135 : i32 to index
          %get3A_521 = arith.index_cast %mul3A_474 : i32 to index
          %get3A_522 = tpu.vector_load %arg7[%get3A_520, %get3A_521] {strides = array<i32>} : memref<8x768xf32, #tpu.memory_space<vmem>>, vector<16xf32>,
          %mul3A_523 = arith.mulf %get3A_519, %get3A_522 : vector<16xf32>
          %add3A_524 = arith.addf %scan3A_461, %mul3A_523 : vector<16xf32>
          %add3A_525 = arith.constant 5 : i32
          %add3A_526 = arith.addi %mul3A_68, %add3A_525 : i32
          %get3A_527 = arith.index_cast %add3A_526 : i32 to index
          %get3A_528 = arith.index_cast %mul3A_474 : i32 to index
          %get3A_529 = tpu.vector_load %arg11[%get3A_527, %get3A_528] {strides = array<i32>} : memref<48x768xf32, #tpu.memory_space<vmem>>, vector<16xf32>,
          %get3A_530 = arith.index_cast %reduce_max3A_149 : i32 to index
          %get3A_531 = arith.index_cast %mul3A_474 : i32 to index
          %get3A_532 = tpu.vector_load %arg7[%get3A_530, %get3A_531] {strides = array<i32>} : memref<8x768xf32, #tpu.memory_space<vmem>>, vector<16xf32>,
          %mul3A_533 = arith.mulf %get3A_529, %get3A_532 : vector<16xf32>
          %add3A_534 = arith.addf %scan3A_462, %mul3A_533 : vector<16xf32>
          %add3A_535 = arith.constant 6 : i32
          %add3A_536 = arith.addi %mul3A_68, %add3A_535 : i32
          %get3A_537 = arith.index_cast %add3A_536 : i32 to index
          %get3A_538 = arith.index_cast %mul3A_474 : i32 to index
          %get3A_539 = tpu.vector_load %arg11[%get3A_537, %get3A_538] {strides = array<i32>} : memref<48x768xf32, #tpu.memory_space<vmem>>, vector<16xf32>,
          %get3A_540 = arith.index_cast %reduce_max3A_163 : i32 to index
          %get3A_541 = arith.index_cast %mul3A_474 : i32 to index
          %get3A_542 = tpu.vector_load %arg7[%get3A_540, %get3A_541] {strides = array<i32>} : memref<8x768xf32, #tpu.memory_space<vmem>>, vector<16xf32>,
          %mul3A_543 = arith.mulf %get3A_539, %get3A_542 : vector<16xf32>
          %add3A_544 = arith.addf %scan3A_463, %mul3A_543 : vector<16xf32>
          %add3A_545 = arith.constant 7 : i32
          %add3A_546 = arith.addi %mul3A_68, %add3A_545 : i32
          %get3A_547 = arith.index_cast %add3A_546 : i32 to index
          %get3A_548 = arith.index_cast %mul3A_474 : i32 to index
          %get3A_549 = tpu.vector_load %arg11[%get3A_547, %get3A_548] {strides = array<i32>} : memref<48x768xf32, #tpu.memory_space<vmem>>, vector<16xf32>,
          %get3A_550 = arith.index_cast %reduce_max3A_177 : i32 to index
          %get3A_551 = arith.index_cast %mul3A_474 : i32 to index
          %get3A_552 = tpu.vector_load %arg7[%get3A_550, %get3A_551] {strides = array<i32>} : memref<8x768xf32, #tpu.memory_space<vmem>>, vector<16xf32>,
          %mul3A_553 = arith.mulf %get3A_549, %get3A_552 : vector<16xf32>
          %add3A_554 = arith.addf %scan3A_464, %mul3A_553 : vector<16xf32>
          %add3A_555 = arith.constant 8 : i32
          %add3A_556 = arith.addi %mul3A_68, %add3A_555 : i32
          %get3A_557 = arith.index_cast %add3A_556 : i32 to index
          %get3A_558 = arith.index_cast %mul3A_474 : i32 to index
          %get3A_559 = tpu.vector_load %arg11[%get3A_557, %get3A_558] {strides = array<i32>} : memref<48x768xf32, #tpu.memory_space<vmem>>, vector<16xf32>,
          %get3A_560 = arith.index_cast %reduce_max3A_191 : i32 to index
          %get3A_561 = arith.index_cast %mul3A_474 : i32 to index
          %get3A_562 = tpu.vector_load %arg7[%get3A_560, %get3A_561] {strides = array<i32>} : memref<8x768xf32, #tpu.memory_space<vmem>>, vector<16xf32>,
          %mul3A_563 = arith.mulf %get3A_559, %get3A_562 : vector<16xf32>
          %add3A_564 = arith.addf %scan3A_465, %mul3A_563 : vector<16xf32>
          %add3A_565 = arith.constant 9 : i32
          %add3A_566 = arith.addi %mul3A_68, %add3A_565 : i32
          %get3A_567 = arith.index_cast %add3A_566 : i32 to index
          %get3A_568 = arith.index_cast %mul3A_474 : i32 to index
          %get3A_569 = tpu.vector_load %arg11[%get3A_567, %get3A_568] {strides = array<i32>} : memref<48x768xf32, #tpu.memory_space<vmem>>, vector<16xf32>,
          %get3A_570 = arith.index_cast %reduce_max3A_205 : i32 to index
          %get3A_571 = arith.index_cast %mul3A_474 : i32 to index
          %get3A_572 = tpu.vector_load %arg7[%get3A_570, %get3A_571] {strides = array<i32>} : memref<8x768xf32, #tpu.memory_space<vmem>>, vector<16xf32>,
          %mul3A_573 = arith.mulf %get3A_569, %get3A_572 : vector<16xf32>
          %add3A_574 = arith.addf %scan3A_466, %mul3A_573 : vector<16xf32>
          %add3A_575 = arith.constant 10 : i32
          %add3A_576 = arith.addi %mul3A_68, %add3A_575 : i32
          %get3A_577 = arith.index_cast %add3A_576 : i32 to index
          %get3A_578 = arith.index_cast %mul3A_474 : i32 to index
          %get3A_579 = tpu.vector_load %arg11[%get3A_577, %get3A_578] {strides = array<i32>} : memref<48x768xf32, #tpu.memory_space<vmem>>, vector<16xf32>,
          %get3A_580 = arith.index_cast %reduce_max3A_219 : i32 to index
          %get3A_581 = arith.index_cast %mul3A_474 : i32 to index
          %get3A_582 = tpu.vector_load %arg7[%get3A_580, %get3A_581] {strides = array<i32>} : memref<8x768xf32, #tpu.memory_space<vmem>>, vector<16xf32>,
          %mul3A_583 = arith.mulf %get3A_579, %get3A_582 : vector<16xf32>
          %add3A_584 = arith.addf %scan3A_467, %mul3A_583 : vector<16xf32>
          %add3A_585 = arith.constant 11 : i32
          %add3A_586 = arith.addi %mul3A_68, %add3A_585 : i32
          %get3A_587 = arith.index_cast %add3A_586 : i32 to index
          %get3A_588 = arith.index_cast %mul3A_474 : i32 to index
          %get3A_589 = tpu.vector_load %arg11[%get3A_587, %get3A_588] {strides = array<i32>} : memref<48x768xf32, #tpu.memory_space<vmem>>, vector<16xf32>,
          %get3A_590 = arith.index_cast %reduce_max3A_233 : i32 to index
          %get3A_591 = arith.index_cast %mul3A_474 : i32 to index
          %get3A_592 = tpu.vector_load %arg7[%get3A_590, %get3A_591] {strides = array<i32>} : memref<8x768xf32, #tpu.memory_space<vmem>>, vector<16xf32>,
          %mul3A_593 = arith.mulf %get3A_589, %get3A_592 : vector<16xf32>
          %add3A_594 = arith.addf %scan3A_468, %mul3A_593 : vector<16xf32>
          %add3A_595 = arith.constant 12 : i32
          %add3A_596 = arith.addi %mul3A_68, %add3A_595 : i32
          %get3A_597 = arith.index_cast %add3A_596 : i32 to index
          %get3A_598 = arith.index_cast %mul3A_474 : i32 to index
          %get3A_599 = tpu.vector_load %arg11[%get3A_597, %get3A_598] {strides = array<i32>} : memref<48x768xf32, #tpu.memory_space<vmem>>, vector<16xf32>,
          %get3A_600 = arith.index_cast %reduce_max3A_247 : i32 to index
          %get3A_601 = arith.index_cast %mul3A_474 : i32 to index
          %get3A_602 = tpu.vector_load %arg7[%get3A_600, %get3A_601] {strides = array<i32>} : memref<8x768xf32, #tpu.memory_space<vmem>>, vector<16xf32>,
          %mul3A_603 = arith.mulf %get3A_599, %get3A_602 : vector<16xf32>
          %add3A_604 = arith.addf %scan3A_469, %mul3A_603 : vector<16xf32>
          %add3A_605 = arith.constant 13 : i32
          %add3A_606 = arith.addi %mul3A_68, %add3A_605 : i32
          %get3A_607 = arith.index_cast %add3A_606 : i32 to index
          %get3A_608 = arith.index_cast %mul3A_474 : i32 to index
          %get3A_609 = tpu.vector_load %arg11[%get3A_607, %get3A_608] {strides = array<i32>} : memref<48x768xf32, #tpu.memory_space<vmem>>, vector<16xf32>,
          %get3A_610 = arith.index_cast %reduce_max3A_261 : i32 to index
          %get3A_611 = arith.index_cast %mul3A_474 : i32 to index
          %get3A_612 = tpu.vector_load %arg7[%get3A_610, %get3A_611] {strides = array<i32>} : memref<8x768xf32, #tpu.memory_space<vmem>>, vector<16xf32>,
          %mul3A_613 = arith.mulf %get3A_609, %get3A_612 : vector<16xf32>
          %add3A_614 = arith.addf %scan3A_470, %mul3A_613 : vector<16xf32>
          %add3A_615 = arith.constant 14 : i32
          %add3A_616 = arith.addi %mul3A_68, %add3A_615 : i32
          %get3A_617 = arith.index_cast %add3A_616 : i32 to index
          %get3A_618 = arith.index_cast %mul3A_474 : i32 to index
          %get3A_619 = tpu.vector_load %arg11[%get3A_617, %get3A_618] {strides = array<i32>} : memref<48x768xf32, #tpu.memory_space<vmem>>, vector<16xf32>,
          %get3A_620 = arith.index_cast %reduce_max3A_275 : i32 to index
          %get3A_621 = arith.index_cast %mul3A_474 : i32 to index
          %get3A_622 = tpu.vector_load %arg7[%get3A_620, %get3A_621] {strides = array<i32>} : memref<8x768xf32, #tpu.memory_space<vmem>>, vector<16xf32>,
          %mul3A_623 = arith.mulf %get3A_619, %get3A_622 : vector<16xf32>
          %add3A_624 = arith.addf %scan3A_471, %mul3A_623 : vector<16xf32>
          %add3A_625 = arith.constant 15 : i32
          %add3A_626 = arith.addi %mul3A_68, %add3A_625 : i32
          %get3A_627 = arith.index_cast %add3A_626 : i32 to index
          %get3A_628 = arith.index_cast %mul3A_474 : i32 to index
          %get3A_629 = tpu.vector_load %arg11[%get3A_627, %get3A_628] {strides = array<i32>} : memref<48x768xf32, #tpu.memory_space<vmem>>, vector<16xf32>,
          %get3A_630 = arith.index_cast %reduce_max3A_289 : i32 to index
          %get3A_631 = arith.index_cast %mul3A_474 : i32 to index
          %get3A_632 = tpu.vector_load %arg7[%get3A_630, %get3A_631] {strides = array<i32>} : memref<8x768xf32, #tpu.memory_space<vmem>>, vector<16xf32>,
          %mul3A_633 = arith.mulf %get3A_629, %get3A_632 : vector<16xf32>
          %add3A_634 = arith.addf %scan3A_472, %mul3A_633 : vector<16xf32>
          scf.yield %add3A_484, %add3A_494, %add3A_504, %add3A_514, %add3A_524, %add3A_534, %add3A_544, %add3A_554, %add3A_564, %add3A_574, %add3A_584, %add3A_594, %add3A_604, %add3A_614, %add3A_624, %add3A_634 : vector<16xf32>, vector<16xf32>, vector<16xf32>, vector<16xf32>, vector<16xf32>, vector<16xf32>, vector<16xf32>, vector<16xf32>, vector<16xf32>, vector<16xf32>, vector<16xf32>, vector<16xf32>, vector<16xf32>, vector<16xf32>, vector<16xf32>, vector<16xf32>
        }
        %scan3A_295 = arith.constant 48 : i32
        %reduce_sum3A = arith.constant true
        %reduce_sum3A_296 = vector.broadcast %reduce_sum3A : i1 to vector<16xi1>
        %reduce_sum3A_297 = tpu.scan <sum>, %scan3A_294#0 masked %reduce_sum3A_296 : vector<16xf32>, vector<16xi1> -> vector<16xf32>
        %reduce_sum3A_298 = vector.extract %reduce_sum3A_297[15] : f32 from vector<16xf32>
        %eq3A_299 = arith.constant 0 : i32
        %eq3A_300 = vector.broadcast %eq3A_299 : i32 to vector<16xi32>
        %eq3A_301 = arith.cmpi eq, %iota3A, %eq3A_300 : vector<16xi32>
        %add3A_302 = vector.broadcast %reduce_sum3A_298 : f32 to vector<16xf32>
        %add3A_303 = arith.addf %gather3A, %add3A_302 : vector<16xf32>
        %select_n3A_304 = arith.select %eq3A_301, %add3A_303, %gather3A : vector<16xi1>, vector<16xf32>
        %reduce_sum3A_305 = arith.constant true
        %reduce_sum3A_306 = vector.broadcast %reduce_sum3A_305 : i1 to vector<16xi1>
        %reduce_sum3A_307 = tpu.scan <sum>, %scan3A_294#1 masked %reduce_sum3A_306 : vector<16xf32>, vector<16xi1> -> vector<16xf32>
        %reduce_sum3A_308 = vector.extract %reduce_sum3A_307[15] : f32 from vector<16xf32>
        %eq3A_309 = arith.constant 1 : i32
        %eq3A_310 = vector.broadcast %eq3A_309 : i32 to vector<16xi32>
        %eq3A_311 = arith.cmpi eq, %iota3A, %eq3A_310 : vector<16xi32>
        %add3A_312 = vector.broadcast %reduce_sum3A_308 : f32 to vector<16xf32>
        %add3A_313 = arith.addf %gather3A, %add3A_312 : vector<16xf32>
        %select_n3A_314 = arith.select %eq3A_311, %add3A_313, %select_n3A_304 : vector<16xi1>, vector<16xf32>
        %reduce_sum3A_315 = arith.constant true
        %reduce_sum3A_316 = vector.broadcast %reduce_sum3A_315 : i1 to vector<16xi1>
        %reduce_sum3A_317 = tpu.scan <sum>, %scan3A_294#2 masked %reduce_sum3A_316 : vector<16xf32>, vector<16xi1> -> vector<16xf32>
        %reduce_sum3A_318 = vector.extract %reduce_sum3A_317[15] : f32 from vector<16xf32>
        %eq3A_319 = arith.constant 2 : i32
        %eq3A_320 = vector.broadcast %eq3A_319 : i32 to vector<16xi32>
        %eq3A_321 = arith.cmpi eq, %iota3A, %eq3A_320 : vector<16xi32>
        %add3A_322 = vector.broadcast %reduce_sum3A_318 : f32 to vector<16xf32>
        %add3A_323 = arith.addf %gather3A, %add3A_322 : vector<16xf32>
        %select_n3A_324 = arith.select %eq3A_321, %add3A_323, %select_n3A_314 : vector<16xi1>, vector<16xf32>
        %reduce_sum3A_325 = arith.constant true
        %reduce_sum3A_326 = vector.broadcast %reduce_sum3A_325 : i1 to vector<16xi1>
        %reduce_sum3A_327 = tpu.scan <sum>, %scan3A_294#3 masked %reduce_sum3A_326 : vector<16xf32>, vector<16xi1> -> vector<16xf32>
        %reduce_sum3A_328 = vector.extract %reduce_sum3A_327[15] : f32 from vector<16xf32>
        %eq3A_329 = arith.constant 3 : i32
        %eq3A_330 = vector.broadcast %eq3A_329 : i32 to vector<16xi32>
        %eq3A_331 = arith.cmpi eq, %iota3A, %eq3A_330 : vector<16xi32>
        %add3A_332 = vector.broadcast %reduce_sum3A_328 : f32 to vector<16xf32>
        %add3A_333 = arith.addf %gather3A, %add3A_332 : vector<16xf32>
        %select_n3A_334 = arith.select %eq3A_331, %add3A_333, %select_n3A_324 : vector<16xi1>, vector<16xf32>
        %reduce_sum3A_335 = arith.constant true
        %reduce_sum3A_336 = vector.broadcast %reduce_sum3A_335 : i1 to vector<16xi1>
        %reduce_sum3A_337 = tpu.scan <sum>, %scan3A_294#4 masked %reduce_sum3A_336 : vector<16xf32>, vector<16xi1> -> vector<16xf32>
        %reduce_sum3A_338 = vector.extract %reduce_sum3A_337[15] : f32 from vector<16xf32>
        %eq3A_339 = arith.constant 4 : i32
        %eq3A_340 = vector.broadcast %eq3A_339 : i32 to vector<16xi32>
        %eq3A_341 = arith.cmpi eq, %iota3A, %eq3A_340 : vector<16xi32>
        %add3A_342 = vector.broadcast %reduce_sum3A_338 : f32 to vector<16xf32>
        %add3A_343 = arith.addf %gather3A, %add3A_342 : vector<16xf32>
        %select_n3A_344 = arith.select %eq3A_341, %add3A_343, %select_n3A_334 : vector<16xi1>, vector<16xf32>
        %reduce_sum3A_345 = arith.constant true
        %reduce_sum3A_346 = vector.broadcast %reduce_sum3A_345 : i1 to vector<16xi1>
        %reduce_sum3A_347 = tpu.scan <sum>, %scan3A_294#5 masked %reduce_sum3A_346 : vector<16xf32>, vector<16xi1> -> vector<16xf32>
        %reduce_sum3A_348 = vector.extract %reduce_sum3A_347[15] : f32 from vector<16xf32>
        %eq3A_349 = arith.constant 5 : i32
        %eq3A_350 = vector.broadcast %eq3A_349 : i32 to vector<16xi32>
        %eq3A_351 = arith.cmpi eq, %iota3A, %eq3A_350 : vector<16xi32>
        %add3A_352 = vector.broadcast %reduce_sum3A_348 : f32 to vector<16xf32>
        %add3A_353 = arith.addf %gather3A, %add3A_352 : vector<16xf32>
        %select_n3A_354 = arith.select %eq3A_351, %add3A_353, %select_n3A_344 : vector<16xi1>, vector<16xf32>
        %reduce_sum3A_355 = arith.constant true
        %reduce_sum3A_356 = vector.broadcast %reduce_sum3A_355 : i1 to vector<16xi1>
        %reduce_sum3A_357 = tpu.scan <sum>, %scan3A_294#6 masked %reduce_sum3A_356 : vector<16xf32>, vector<16xi1> -> vector<16xf32>
        %reduce_sum3A_358 = vector.extract %reduce_sum3A_357[15] : f32 from vector<16xf32>
        %eq3A_359 = arith.constant 6 : i32
        %eq3A_360 = vector.broadcast %eq3A_359 : i32 to vector<16xi32>
        %eq3A_361 = arith.cmpi eq, %iota3A, %eq3A_360 : vector<16xi32>
        %add3A_362 = vector.broadcast %reduce_sum3A_358 : f32 to vector<16xf32>
        %add3A_363 = arith.addf %gather3A, %add3A_362 : vector<16xf32>
        %select_n3A_364 = arith.select %eq3A_361, %add3A_363, %select_n3A_354 : vector<16xi1>, vector<16xf32>
        %reduce_sum3A_365 = arith.constant true
        %reduce_sum3A_366 = vector.broadcast %reduce_sum3A_365 : i1 to vector<16xi1>
        %reduce_sum3A_367 = tpu.scan <sum>, %scan3A_294#7 masked %reduce_sum3A_366 : vector<16xf32>, vector<16xi1> -> vector<16xf32>
        %reduce_sum3A_368 = vector.extract %reduce_sum3A_367[15] : f32 from vector<16xf32>
        %eq3A_369 = arith.constant 7 : i32
        %eq3A_370 = vector.broadcast %eq3A_369 : i32 to vector<16xi32>
        %eq3A_371 = arith.cmpi eq, %iota3A, %eq3A_370 : vector<16xi32>
        %add3A_372 = vector.broadcast %reduce_sum3A_368 : f32 to vector<16xf32>
        %add3A_373 = arith.addf %gather3A, %add3A_372 : vector<16xf32>
        %select_n3A_374 = arith.select %eq3A_371, %add3A_373, %select_n3A_364 : vector<16xi1>, vector<16xf32>
        %reduce_sum3A_375 = arith.constant true
        %reduce_sum3A_376 = vector.broadcast %reduce_sum3A_375 : i1 to vector<16xi1>
        %reduce_sum3A_377 = tpu.scan <sum>, %scan3A_294#8 masked %reduce_sum3A_376 : vector<16xf32>, vector<16xi1> -> vector<16xf32>
        %reduce_sum3A_378 = vector.extract %reduce_sum3A_377[15] : f32 from vector<16xf32>
        %eq3A_379 = arith.constant 8 : i32
        %eq3A_380 = vector.broadcast %eq3A_379 : i32 to vector<16xi32>
        %eq3A_381 = arith.cmpi eq, %iota3A, %eq3A_380 : vector<16xi32>
        %add3A_382 = vector.broadcast %reduce_sum3A_378 : f32 to vector<16xf32>
        %add3A_383 = arith.addf %gather3A, %add3A_382 : vector<16xf32>
        %select_n3A_384 = arith.select %eq3A_381, %add3A_383, %select_n3A_374 : vector<16xi1>, vector<16xf32>
        %reduce_sum3A_385 = arith.constant true
        %reduce_sum3A_386 = vector.broadcast %reduce_sum3A_385 : i1 to vector<16xi1>
        %reduce_sum3A_387 = tpu.scan <sum>, %scan3A_294#9 masked %reduce_sum3A_386 : vector<16xf32>, vector<16xi1> -> vector<16xf32>
        %reduce_sum3A_388 = vector.extract %reduce_sum3A_387[15] : f32 from vector<16xf32>
        %eq3A_389 = arith.constant 9 : i32
        %eq3A_390 = vector.broadcast %eq3A_389 : i32 to vector<16xi32>
        %eq3A_391 = arith.cmpi eq, %iota3A, %eq3A_390 : vector<16xi32>
        %add3A_392 = vector.broadcast %reduce_sum3A_388 : f32 to vector<16xf32>
        %add3A_393 = arith.addf %gather3A, %add3A_392 : vector<16xf32>
        %select_n3A_394 = arith.select %eq3A_391, %add3A_393, %select_n3A_384 : vector<16xi1>, vector<16xf32>
        %reduce_sum3A_395 = arith.constant true
        %reduce_sum3A_396 = vector.broadcast %reduce_sum3A_395 : i1 to vector<16xi1>
        %reduce_sum3A_397 = tpu.scan <sum>, %scan3A_294#10 masked %reduce_sum3A_396 : vector<16xf32>, vector<16xi1> -> vector<16xf32>
        %reduce_sum3A_398 = vector.extract %reduce_sum3A_397[15] : f32 from vector<16xf32>
        %eq3A_399 = arith.constant 10 : i32
        %eq3A_400 = vector.broadcast %eq3A_399 : i32 to vector<16xi32>
        %eq3A_401 = arith.cmpi eq, %iota3A, %eq3A_400 : vector<16xi32>
        %add3A_402 = vector.broadcast %reduce_sum3A_398 : f32 to vector<16xf32>
        %add3A_403 = arith.addf %gather3A, %add3A_402 : vector<16xf32>
        %select_n3A_404 = arith.select %eq3A_401, %add3A_403, %select_n3A_394 : vector<16xi1>, vector<16xf32>
        %reduce_sum3A_405 = arith.constant true
        %reduce_sum3A_406 = vector.broadcast %reduce_sum3A_405 : i1 to vector<16xi1>
        %reduce_sum3A_407 = tpu.scan <sum>, %scan3A_294#11 masked %reduce_sum3A_406 : vector<16xf32>, vector<16xi1> -> vector<16xf32>
        %reduce_sum3A_408 = vector.extract %reduce_sum3A_407[15] : f32 from vector<16xf32>
        %eq3A_409 = arith.constant 11 : i32
        %eq3A_410 = vector.broadcast %eq3A_409 : i32 to vector<16xi32>
        %eq3A_411 = arith.cmpi eq, %iota3A, %eq3A_410 : vector<16xi32>
        %add3A_412 = vector.broadcast %reduce_sum3A_408 : f32 to vector<16xf32>
        %add3A_413 = arith.addf %gather3A, %add3A_412 : vector<16xf32>
        %select_n3A_414 = arith.select %eq3A_411, %add3A_413, %select_n3A_404 : vector<16xi1>, vector<16xf32>
        %reduce_sum3A_415 = arith.constant true
        %reduce_sum3A_416 = vector.broadcast %reduce_sum3A_415 : i1 to vector<16xi1>
        %reduce_sum3A_417 = tpu.scan <sum>, %scan3A_294#12 masked %reduce_sum3A_416 : vector<16xf32>, vector<16xi1> -> vector<16xf32>
        %reduce_sum3A_418 = vector.extract %reduce_sum3A_417[15] : f32 from vector<16xf32>
        %eq3A_419 = arith.constant 12 : i32
        %eq3A_420 = vector.broadcast %eq3A_419 : i32 to vector<16xi32>
        %eq3A_421 = arith.cmpi eq, %iota3A, %eq3A_420 : vector<16xi32>
        %add3A_422 = vector.broadcast %reduce_sum3A_418 : f32 to vector<16xf32>
        %add3A_423 = arith.addf %gather3A, %add3A_422 : vector<16xf32>
        %select_n3A_424 = arith.select %eq3A_421, %add3A_423, %select_n3A_414 : vector<16xi1>, vector<16xf32>
        %reduce_sum3A_425 = arith.constant true
        %reduce_sum3A_426 = vector.broadcast %reduce_sum3A_425 : i1 to vector<16xi1>
        %reduce_sum3A_427 = tpu.scan <sum>, %scan3A_294#13 masked %reduce_sum3A_426 : vector<16xf32>, vector<16xi1> -> vector<16xf32>
        %reduce_sum3A_428 = vector.extract %reduce_sum3A_427[15] : f32 from vector<16xf32>
        %eq3A_429 = arith.constant 13 : i32
        %eq3A_430 = vector.broadcast %eq3A_429 : i32 to vector<16xi32>
        %eq3A_431 = arith.cmpi eq, %iota3A, %eq3A_430 : vector<16xi32>
        %add3A_432 = vector.broadcast %reduce_sum3A_428 : f32 to vector<16xf32>
        %add3A_433 = arith.addf %gather3A, %add3A_432 : vector<16xf32>
        %select_n3A_434 = arith.select %eq3A_431, %add3A_433, %select_n3A_424 : vector<16xi1>, vector<16xf32>
        %reduce_sum3A_435 = arith.constant true
        %reduce_sum3A_436 = vector.broadcast %reduce_sum3A_435 : i1 to vector<16xi1>
        %reduce_sum3A_437 = tpu.scan <sum>, %scan3A_294#14 masked %reduce_sum3A_436 : vector<16xf32>, vector<16xi1> -> vector<16xf32>
        %reduce_sum3A_438 = vector.extract %reduce_sum3A_437[15] : f32 from vector<16xf32>
        %eq3A_439 = arith.constant 14 : i32
        %eq3A_440 = vector.broadcast %eq3A_439 : i32 to vector<16xi32>
        %eq3A_441 = arith.cmpi eq, %iota3A, %eq3A_440 : vector<16xi32>
        %add3A_442 = vector.broadcast %reduce_sum3A_438 : f32 to vector<16xf32>
        %add3A_443 = arith.addf %gather3A, %add3A_442 : vector<16xf32>
        %select_n3A_444 = arith.select %eq3A_441, %add3A_443, %select_n3A_434 : vector<16xi1>, vector<16xf32>
        %reduce_sum3A_445 = arith.constant true
        %reduce_sum3A_446 = vector.broadcast %reduce_sum3A_445 : i1 to vector<16xi1>
        %reduce_sum3A_447 = tpu.scan <sum>, %scan3A_294#15 masked %reduce_sum3A_446 : vector<16xf32>, vector<16xi1> -> vector<16xf32>
        %reduce_sum3A_448 = vector.extract %reduce_sum3A_447[15] : f32 from vector<16xf32>
        %eq3A_449 = arith.constant 15 : i32
        %eq3A_450 = vector.broadcast %eq3A_449 : i32 to vector<16xi32>
        %eq3A_451 = arith.cmpi eq, %iota3A, %eq3A_450 : vector<16xi32>
        %add3A_452 = vector.broadcast %reduce_sum3A_448 : f32 to vector<16xf32>
        %add3A_453 = arith.addf %gather3A, %add3A_452 : vector<16xf32>
        %select_n3A_454 = arith.select %eq3A_451, %add3A_453, %select_n3A_444 : vector<16xi1>, vector<16xf32>
        %swap3A = arith.index_cast %add3A_66 : i32 to index
        %swap3A_455 = tpu.vector_load %arg10[%swap3A] {strides = array<i32>} : memref<480xf32, #tpu.memory_space<vmem>>, vector<16xf32>,
        tpu.vector_store %arg10[%swap3A], %select_n3A_454 {strides = array<i32>} : memref<480xf32, #tpu.memory_space<vmem>>, vector<16xf32>,
      }
      %scan3A_33 = arith.constant 3 : i32
      %add3A_34 = arith.constant 2 : i32
      %add3A_35 = arith.addi %add3A_22, %add3A_34 : i32
      %lt3A = arith.constant 10 : i32
      %lt3A_36 = arith.cmpi slt, %add3A_35, %lt3A : i32
      %convert_element_type3A = arith.extui %lt3A_36 : i1 to i32
      %cond3A = arith.constant 0 : i32
      %cond3A_37 = arith.cmpi ne, %convert_element_type3A, %cond3A : i32
      scf.if %cond3A_37 {
        %mul3A_61 = arith.constant 48 : i32
        %mul3A_62 = arith.muli %add3A_35, %mul3A_61 : i32
        %add3A_63 = arith.addi %mul3A_2, %mul3A_62 : i32
        %dma_start3A_64 = arith.constant 0 : i32
        %dma_start3A_65 = tpu.memref_slice %arg3[%add3A_63, %dma_start3A_64] : memref<32768x768xf32, #tpu.memory_space<hbm>> -> memref<48x768xf32, #tpu.memory_space<hbm>>
        %dma_start3A_66 = arith.constant 0 : i32
        %dma_start3A_67 = tpu.memref_slice %arg3[%add3A_63, %dma_start3A_66] : memref<32768x768xf32, #tpu.memory_space<hbm>> -> memref<48x768xf32, #tpu.memory_space<hbm>>
        tpu.enqueue_dma source(%dma_start3A_67 : memref<48x768xf32, #tpu.memory_space<hbm>>) target(%arg11 : memref<48x768xf32, #tpu.memory_space<vmem>>) target_semaphore(%arg13 : memref<!tpu.dma_semaphore, #tpu.memory_space<semaphore_mem>>)
      } else {
      }
      %mul3A_38 = arith.constant 2 : i32
      %mul3A_39 = arith.muli %mul3A_38, %scan3A_18 : i32
      %add3A_40 = arith.constant 1 : i32
      %add3A_41 = arith.addi %mul3A_39, %add3A_40 : i32
      %dma_wait3A_42 = arith.constant 0 : i32
      %dma_wait3A_43 = arith.constant 0 : i32
      %dma_wait3A_44 = tpu.memref_slice %arg3[%dma_wait3A_42, %dma_wait3A_43] : memref<32768x768xf32, #tpu.memory_space<hbm>> -> memref<48x768xf32, #tpu.memory_space<hbm>>
      %dma_wait3A_45 = arith.constant 0 : i32
      %dma_wait3A_46 = arith.constant 0 : i32
      %dma_wait3A_47 = tpu.memref_slice %arg3[%dma_wait3A_45, %dma_wait3A_46] : memref<32768x768xf32, #tpu.memory_space<hbm>> -> memref<48x768xf32, #tpu.memory_space<hbm>>
      tpu.wait_dma2 semaphore(%arg14 : memref<!tpu.dma_semaphore, #tpu.memory_space<semaphore_mem>>) src(%dma_wait3A_47 : memref<48x768xf32, #tpu.memory_space<hbm>>) dst(%arg12 : memref<48x768xf32, #tpu.memory_space<vmem>>)
      %scan3A_48 = arith.constant 0 : i32
      %scan3A_49 = arith.constant 0 : i32
      %scan3A_50 = arith.constant 3 : i32
      %scan3A_51 = arith.addi %scan3A_49, %scan3A_50 : i32
      %scan3A_52 = arith.constant 1 : i32
      scf.for %scan3A_61 = %scan3A_49 to %scan3A_51 step %scan3A_52  : i32 {
        %mul3A_62 = arith.constant 48 : i32
        %mul3A_63 = arith.muli %add3A_41, %mul3A_62 : i32
        %mul3A_64 = arith.constant 16 : i32
        %mul3A_65 = arith.muli %scan3A_61, %mul3A_64 : i32
        %add3A_66 = arith.addi %mul3A_63, %mul3A_65 : i32
        %mul3A_67 = arith.constant 16 : i32
        %mul3A_68 = arith.muli %scan3A_61, %mul3A_67 : i32
        %get3A = arith.index_cast %add3A_66 : i32 to index
        %get3A_69 = tpu.vector_load %arg9[%get3A] {strides = array<i32>} : memref<480xi32, #tpu.memory_space<vmem>>, vector<16xi32>,
        %gather3A = tpu.vector_load_idx %arg8[%get3A_69] : memref<16xf32, #tpu.memory_space<vmem>>[vector<16xi32>], vector<16xf32>,
        %eq3A = arith.constant 0 : i32
        %eq3A_70 = vector.broadcast %eq3A : i32 to vector<16xi32>
        %eq3A_71 = arith.cmpi eq, %iota3A, %eq3A_70 : vector<16xi32>
        %jit3A = arith.constant 0 : i32
        %broadcast_in_dim3A_72 = vector.broadcast %jit3A : i32 to vector<16xi32>
        %select_n3A = arith.select %eq3A_71, %get3A_69, %broadcast_in_dim3A_72 : vector<16xi1>, vector<16xi32>
        %reduce_max3A = arith.constant true
        %reduce_max3A_73 = vector.broadcast %reduce_max3A : i1 to vector<16xi1>
        %reduce_max3A_74 = arith.constant -2147483648 : i32
        %reduce_max3A_75 = vector.broadcast %reduce_max3A_74 : i32 to vector<16xi32>
        %reduce_max3A_76 = arith.xori %select_n3A, %reduce_max3A_75 : vector<16xi32>
        %reduce_max3A_77 = tpu.scan <max>, %reduce_max3A_76 masked %reduce_max3A_73 : vector<16xi32>, vector<16xi1> -> vector<16xi32>
        %reduce_max3A_78 = arith.xori %reduce_max3A_77, %reduce_max3A_75 : vector<16xi32>
        %reduce_max3A_79 = vector.extract %reduce_max3A_78[15] : i32 from vector<16xi32>
        %eq3A_80 = arith.constant 1 : i32
        %eq3A_81 = vector.broadcast %eq3A_80 : i32 to vector<16xi32>
        %eq3A_82 = arith.cmpi eq, %iota3A, %eq3A_81 : vector<16xi32>
        %jit3A_83 = arith.constant 0 : i32
        %broadcast_in_dim3A_84 = vector.broadcast %jit3A_83 : i32 to vector<16xi32>
        %select_n3A_85 = arith.select %eq3A_82, %get3A_69, %broadcast_in_dim3A_84 : vector<16xi1>, vector<16xi32>
        %reduce_max3A_86 = arith.constant true
        %reduce_max3A_87 = vector.broadcast %reduce_max3A_86 : i1 to vector<16xi1>
        %reduce_max3A_88 = arith.constant -2147483648 : i32
        %reduce_max3A_89 = vector.broadcast %reduce_max3A_88 : i32 to vector<16xi32>
        %reduce_max3A_90 = arith.xori %select_n3A_85, %reduce_max3A_89 : vector<16xi32>
        %reduce_max3A_91 = tpu.scan <max>, %reduce_max3A_90 masked %reduce_max3A_87 : vector<16xi32>, vector<16xi1> -> vector<16xi32>
        %reduce_max3A_92 = arith.xori %reduce_max3A_91, %reduce_max3A_89 : vector<16xi32>
        %reduce_max3A_93 = vector.extract %reduce_max3A_92[15] : i32 from vector<16xi32>
        %eq3A_94 = arith.constant 2 : i32
        %eq3A_95 = vector.broadcast %eq3A_94 : i32 to vector<16xi32>
        %eq3A_96 = arith.cmpi eq, %iota3A, %eq3A_95 : vector<16xi32>
        %jit3A_97 = arith.constant 0 : i32
        %broadcast_in_dim3A_98 = vector.broadcast %jit3A_97 : i32 to vector<16xi32>
        %select_n3A_99 = arith.select %eq3A_96, %get3A_69, %broadcast_in_dim3A_98 : vector<16xi1>, vector<16xi32>
        %reduce_max3A_100 = arith.constant true
        %reduce_max3A_101 = vector.broadcast %reduce_max3A_100 : i1 to vector<16xi1>
        %reduce_max3A_102 = arith.constant -2147483648 : i32
        %reduce_max3A_103 = vector.broadcast %reduce_max3A_102 : i32 to vector<16xi32>
        %reduce_max3A_104 = arith.xori %select_n3A_99, %reduce_max3A_103 : vector<16xi32>
        %reduce_max3A_105 = tpu.scan <max>, %reduce_max3A_104 masked %reduce_max3A_101 : vector<16xi32>, vector<16xi1> -> vector<16xi32>
        %reduce_max3A_106 = arith.xori %reduce_max3A_105, %reduce_max3A_103 : vector<16xi32>
        %reduce_max3A_107 = vector.extract %reduce_max3A_106[15] : i32 from vector<16xi32>
        %eq3A_108 = arith.constant 3 : i32
        %eq3A_109 = vector.broadcast %eq3A_108 : i32 to vector<16xi32>
        %eq3A_110 = arith.cmpi eq, %iota3A, %eq3A_109 : vector<16xi32>
        %jit3A_111 = arith.constant 0 : i32
        %broadcast_in_dim3A_112 = vector.broadcast %jit3A_111 : i32 to vector<16xi32>
        %select_n3A_113 = arith.select %eq3A_110, %get3A_69, %broadcast_in_dim3A_112 : vector<16xi1>, vector<16xi32>
        %reduce_max3A_114 = arith.constant true
        %reduce_max3A_115 = vector.broadcast %reduce_max3A_114 : i1 to vector<16xi1>
        %reduce_max3A_116 = arith.constant -2147483648 : i32
        %reduce_max3A_117 = vector.broadcast %reduce_max3A_116 : i32 to vector<16xi32>
        %reduce_max3A_118 = arith.xori %select_n3A_113, %reduce_max3A_117 : vector<16xi32>
        %reduce_max3A_119 = tpu.scan <max>, %reduce_max3A_118 masked %reduce_max3A_115 : vector<16xi32>, vector<16xi1> -> vector<16xi32>
        %reduce_max3A_120 = arith.xori %reduce_max3A_119, %reduce_max3A_117 : vector<16xi32>
        %reduce_max3A_121 = vector.extract %reduce_max3A_120[15] : i32 from vector<16xi32>
        %eq3A_122 = arith.constant 4 : i32
        %eq3A_123 = vector.broadcast %eq3A_122 : i32 to vector<16xi32>
        %eq3A_124 = arith.cmpi eq, %iota3A, %eq3A_123 : vector<16xi32>
        %jit3A_125 = arith.constant 0 : i32
        %broadcast_in_dim3A_126 = vector.broadcast %jit3A_125 : i32 to vector<16xi32>
        %select_n3A_127 = arith.select %eq3A_124, %get3A_69, %broadcast_in_dim3A_126 : vector<16xi1>, vector<16xi32>
        %reduce_max3A_128 = arith.constant true
        %reduce_max3A_129 = vector.broadcast %reduce_max3A_128 : i1 to vector<16xi1>
        %reduce_max3A_130 = arith.constant -2147483648 : i32
        %reduce_max3A_131 = vector.broadcast %reduce_max3A_130 : i32 to vector<16xi32>
        %reduce_max3A_132 = arith.xori %select_n3A_127, %reduce_max3A_131 : vector<16xi32>
        %reduce_max3A_133 = tpu.scan <max>, %reduce_max3A_132 masked %reduce_max3A_129 : vector<16xi32>, vector<16xi1> -> vector<16xi32>
        %reduce_max3A_134 = arith.xori %reduce_max3A_133, %reduce_max3A_131 : vector<16xi32>
        %reduce_max3A_135 = vector.extract %reduce_max3A_134[15] : i32 from vector<16xi32>
        %eq3A_136 = arith.constant 5 : i32
        %eq3A_137 = vector.broadcast %eq3A_136 : i32 to vector<16xi32>
        %eq3A_138 = arith.cmpi eq, %iota3A, %eq3A_137 : vector<16xi32>
        %jit3A_139 = arith.constant 0 : i32
        %broadcast_in_dim3A_140 = vector.broadcast %jit3A_139 : i32 to vector<16xi32>
        %select_n3A_141 = arith.select %eq3A_138, %get3A_69, %broadcast_in_dim3A_140 : vector<16xi1>, vector<16xi32>
        %reduce_max3A_142 = arith.constant true
        %reduce_max3A_143 = vector.broadcast %reduce_max3A_142 : i1 to vector<16xi1>
        %reduce_max3A_144 = arith.constant -2147483648 : i32
        %reduce_max3A_145 = vector.broadcast %reduce_max3A_144 : i32 to vector<16xi32>
        %reduce_max3A_146 = arith.xori %select_n3A_141, %reduce_max3A_145 : vector<16xi32>
        %reduce_max3A_147 = tpu.scan <max>, %reduce_max3A_146 masked %reduce_max3A_143 : vector<16xi32>, vector<16xi1> -> vector<16xi32>
        %reduce_max3A_148 = arith.xori %reduce_max3A_147, %reduce_max3A_145 : vector<16xi32>
        %reduce_max3A_149 = vector.extract %reduce_max3A_148[15] : i32 from vector<16xi32>
        %eq3A_150 = arith.constant 6 : i32
        %eq3A_151 = vector.broadcast %eq3A_150 : i32 to vector<16xi32>
        %eq3A_152 = arith.cmpi eq, %iota3A, %eq3A_151 : vector<16xi32>
        %jit3A_153 = arith.constant 0 : i32
        %broadcast_in_dim3A_154 = vector.broadcast %jit3A_153 : i32 to vector<16xi32>
        %select_n3A_155 = arith.select %eq3A_152, %get3A_69, %broadcast_in_dim3A_154 : vector<16xi1>, vector<16xi32>
        %reduce_max3A_156 = arith.constant true
        %reduce_max3A_157 = vector.broadcast %reduce_max3A_156 : i1 to vector<16xi1>
        %reduce_max3A_158 = arith.constant -2147483648 : i32
        %reduce_max3A_159 = vector.broadcast %reduce_max3A_158 : i32 to vector<16xi32>
        %reduce_max3A_160 = arith.xori %select_n3A_155, %reduce_max3A_159 : vector<16xi32>
        %reduce_max3A_161 = tpu.scan <max>, %reduce_max3A_160 masked %reduce_max3A_157 : vector<16xi32>, vector<16xi1> -> vector<16xi32>
        %reduce_max3A_162 = arith.xori %reduce_max3A_161, %reduce_max3A_159 : vector<16xi32>
        %reduce_max3A_163 = vector.extract %reduce_max3A_162[15] : i32 from vector<16xi32>
        %eq3A_164 = arith.constant 7 : i32
        %eq3A_165 = vector.broadcast %eq3A_164 : i32 to vector<16xi32>
        %eq3A_166 = arith.cmpi eq, %iota3A, %eq3A_165 : vector<16xi32>
        %jit3A_167 = arith.constant 0 : i32
        %broadcast_in_dim3A_168 = vector.broadcast %jit3A_167 : i32 to vector<16xi32>
        %select_n3A_169 = arith.select %eq3A_166, %get3A_69, %broadcast_in_dim3A_168 : vector<16xi1>, vector<16xi32>
        %reduce_max3A_170 = arith.constant true
        %reduce_max3A_171 = vector.broadcast %reduce_max3A_170 : i1 to vector<16xi1>
        %reduce_max3A_172 = arith.constant -2147483648 : i32
        %reduce_max3A_173 = vector.broadcast %reduce_max3A_172 : i32 to vector<16xi32>
        %reduce_max3A_174 = arith.xori %select_n3A_169, %reduce_max3A_173 : vector<16xi32>
        %reduce_max3A_175 = tpu.scan <max>, %reduce_max3A_174 masked %reduce_max3A_171 : vector<16xi32>, vector<16xi1> -> vector<16xi32>
        %reduce_max3A_176 = arith.xori %reduce_max3A_175, %reduce_max3A_173 : vector<16xi32>
        %reduce_max3A_177 = vector.extract %reduce_max3A_176[15] : i32 from vector<16xi32>
        %eq3A_178 = arith.constant 8 : i32
        %eq3A_179 = vector.broadcast %eq3A_178 : i32 to vector<16xi32>
        %eq3A_180 = arith.cmpi eq, %iota3A, %eq3A_179 : vector<16xi32>
        %jit3A_181 = arith.constant 0 : i32
        %broadcast_in_dim3A_182 = vector.broadcast %jit3A_181 : i32 to vector<16xi32>
        %select_n3A_183 = arith.select %eq3A_180, %get3A_69, %broadcast_in_dim3A_182 : vector<16xi1>, vector<16xi32>
        %reduce_max3A_184 = arith.constant true
        %reduce_max3A_185 = vector.broadcast %reduce_max3A_184 : i1 to vector<16xi1>
        %reduce_max3A_186 = arith.constant -2147483648 : i32
        %reduce_max3A_187 = vector.broadcast %reduce_max3A_186 : i32 to vector<16xi32>
        %reduce_max3A_188 = arith.xori %select_n3A_183, %reduce_max3A_187 : vector<16xi32>
        %reduce_max3A_189 = tpu.scan <max>, %reduce_max3A_188 masked %reduce_max3A_185 : vector<16xi32>, vector<16xi1> -> vector<16xi32>
        %reduce_max3A_190 = arith.xori %reduce_max3A_189, %reduce_max3A_187 : vector<16xi32>
        %reduce_max3A_191 = vector.extract %reduce_max3A_190[15] : i32 from vector<16xi32>
        %eq3A_192 = arith.constant 9 : i32
        %eq3A_193 = vector.broadcast %eq3A_192 : i32 to vector<16xi32>
        %eq3A_194 = arith.cmpi eq, %iota3A, %eq3A_193 : vector<16xi32>
        %jit3A_195 = arith.constant 0 : i32
        %broadcast_in_dim3A_196 = vector.broadcast %jit3A_195 : i32 to vector<16xi32>
        %select_n3A_197 = arith.select %eq3A_194, %get3A_69, %broadcast_in_dim3A_196 : vector<16xi1>, vector<16xi32>
        %reduce_max3A_198 = arith.constant true
        %reduce_max3A_199 = vector.broadcast %reduce_max3A_198 : i1 to vector<16xi1>
        %reduce_max3A_200 = arith.constant -2147483648 : i32
        %reduce_max3A_201 = vector.broadcast %reduce_max3A_200 : i32 to vector<16xi32>
        %reduce_max3A_202 = arith.xori %select_n3A_197, %reduce_max3A_201 : vector<16xi32>
        %reduce_max3A_203 = tpu.scan <max>, %reduce_max3A_202 masked %reduce_max3A_199 : vector<16xi32>, vector<16xi1> -> vector<16xi32>
        %reduce_max3A_204 = arith.xori %reduce_max3A_203, %reduce_max3A_201 : vector<16xi32>
        %reduce_max3A_205 = vector.extract %reduce_max3A_204[15] : i32 from vector<16xi32>
        %eq3A_206 = arith.constant 10 : i32
        %eq3A_207 = vector.broadcast %eq3A_206 : i32 to vector<16xi32>
        %eq3A_208 = arith.cmpi eq, %iota3A, %eq3A_207 : vector<16xi32>
        %jit3A_209 = arith.constant 0 : i32
        %broadcast_in_dim3A_210 = vector.broadcast %jit3A_209 : i32 to vector<16xi32>
        %select_n3A_211 = arith.select %eq3A_208, %get3A_69, %broadcast_in_dim3A_210 : vector<16xi1>, vector<16xi32>
        %reduce_max3A_212 = arith.constant true
        %reduce_max3A_213 = vector.broadcast %reduce_max3A_212 : i1 to vector<16xi1>
        %reduce_max3A_214 = arith.constant -2147483648 : i32
        %reduce_max3A_215 = vector.broadcast %reduce_max3A_214 : i32 to vector<16xi32>
        %reduce_max3A_216 = arith.xori %select_n3A_211, %reduce_max3A_215 : vector<16xi32>
        %reduce_max3A_217 = tpu.scan <max>, %reduce_max3A_216 masked %reduce_max3A_213 : vector<16xi32>, vector<16xi1> -> vector<16xi32>
        %reduce_max3A_218 = arith.xori %reduce_max3A_217, %reduce_max3A_215 : vector<16xi32>
        %reduce_max3A_219 = vector.extract %reduce_max3A_218[15] : i32 from vector<16xi32>
        %eq3A_220 = arith.constant 11 : i32
        %eq3A_221 = vector.broadcast %eq3A_220 : i32 to vector<16xi32>
        %eq3A_222 = arith.cmpi eq, %iota3A, %eq3A_221 : vector<16xi32>
        %jit3A_223 = arith.constant 0 : i32
        %broadcast_in_dim3A_224 = vector.broadcast %jit3A_223 : i32 to vector<16xi32>
        %select_n3A_225 = arith.select %eq3A_222, %get3A_69, %broadcast_in_dim3A_224 : vector<16xi1>, vector<16xi32>
        %reduce_max3A_226 = arith.constant true
        %reduce_max3A_227 = vector.broadcast %reduce_max3A_226 : i1 to vector<16xi1>
        %reduce_max3A_228 = arith.constant -2147483648 : i32
        %reduce_max3A_229 = vector.broadcast %reduce_max3A_228 : i32 to vector<16xi32>
        %reduce_max3A_230 = arith.xori %select_n3A_225, %reduce_max3A_229 : vector<16xi32>
        %reduce_max3A_231 = tpu.scan <max>, %reduce_max3A_230 masked %reduce_max3A_227 : vector<16xi32>, vector<16xi1> -> vector<16xi32>
        %reduce_max3A_232 = arith.xori %reduce_max3A_231, %reduce_max3A_229 : vector<16xi32>
        %reduce_max3A_233 = vector.extract %reduce_max3A_232[15] : i32 from vector<16xi32>
        %eq3A_234 = arith.constant 12 : i32
        %eq3A_235 = vector.broadcast %eq3A_234 : i32 to vector<16xi32>
        %eq3A_236 = arith.cmpi eq, %iota3A, %eq3A_235 : vector<16xi32>
        %jit3A_237 = arith.constant 0 : i32
        %broadcast_in_dim3A_238 = vector.broadcast %jit3A_237 : i32 to vector<16xi32>
        %select_n3A_239 = arith.select %eq3A_236, %get3A_69, %broadcast_in_dim3A_238 : vector<16xi1>, vector<16xi32>
        %reduce_max3A_240 = arith.constant true
        %reduce_max3A_241 = vector.broadcast %reduce_max3A_240 : i1 to vector<16xi1>
        %reduce_max3A_242 = arith.constant -2147483648 : i32
        %reduce_max3A_243 = vector.broadcast %reduce_max3A_242 : i32 to vector<16xi32>
        %reduce_max3A_244 = arith.xori %select_n3A_239, %reduce_max3A_243 : vector<16xi32>
        %reduce_max3A_245 = tpu.scan <max>, %reduce_max3A_244 masked %reduce_max3A_241 : vector<16xi32>, vector<16xi1> -> vector<16xi32>
        %reduce_max3A_246 = arith.xori %reduce_max3A_245, %reduce_max3A_243 : vector<16xi32>
        %reduce_max3A_247 = vector.extract %reduce_max3A_246[15] : i32 from vector<16xi32>
        %eq3A_248 = arith.constant 13 : i32
        %eq3A_249 = vector.broadcast %eq3A_248 : i32 to vector<16xi32>
        %eq3A_250 = arith.cmpi eq, %iota3A, %eq3A_249 : vector<16xi32>
        %jit3A_251 = arith.constant 0 : i32
        %broadcast_in_dim3A_252 = vector.broadcast %jit3A_251 : i32 to vector<16xi32>
        %select_n3A_253 = arith.select %eq3A_250, %get3A_69, %broadcast_in_dim3A_252 : vector<16xi1>, vector<16xi32>
        %reduce_max3A_254 = arith.constant true
        %reduce_max3A_255 = vector.broadcast %reduce_max3A_254 : i1 to vector<16xi1>
        %reduce_max3A_256 = arith.constant -2147483648 : i32
        %reduce_max3A_257 = vector.broadcast %reduce_max3A_256 : i32 to vector<16xi32>
        %reduce_max3A_258 = arith.xori %select_n3A_253, %reduce_max3A_257 : vector<16xi32>
        %reduce_max3A_259 = tpu.scan <max>, %reduce_max3A_258 masked %reduce_max3A_255 : vector<16xi32>, vector<16xi1> -> vector<16xi32>
        %reduce_max3A_260 = arith.xori %reduce_max3A_259, %reduce_max3A_257 : vector<16xi32>
        %reduce_max3A_261 = vector.extract %reduce_max3A_260[15] : i32 from vector<16xi32>
        %eq3A_262 = arith.constant 14 : i32
        %eq3A_263 = vector.broadcast %eq3A_262 : i32 to vector<16xi32>
        %eq3A_264 = arith.cmpi eq, %iota3A, %eq3A_263 : vector<16xi32>
        %jit3A_265 = arith.constant 0 : i32
        %broadcast_in_dim3A_266 = vector.broadcast %jit3A_265 : i32 to vector<16xi32>
        %select_n3A_267 = arith.select %eq3A_264, %get3A_69, %broadcast_in_dim3A_266 : vector<16xi1>, vector<16xi32>
        %reduce_max3A_268 = arith.constant true
        %reduce_max3A_269 = vector.broadcast %reduce_max3A_268 : i1 to vector<16xi1>
        %reduce_max3A_270 = arith.constant -2147483648 : i32
        %reduce_max3A_271 = vector.broadcast %reduce_max3A_270 : i32 to vector<16xi32>
        %reduce_max3A_272 = arith.xori %select_n3A_267, %reduce_max3A_271 : vector<16xi32>
        %reduce_max3A_273 = tpu.scan <max>, %reduce_max3A_272 masked %reduce_max3A_269 : vector<16xi32>, vector<16xi1> -> vector<16xi32>
        %reduce_max3A_274 = arith.xori %reduce_max3A_273, %reduce_max3A_271 : vector<16xi32>
        %reduce_max3A_275 = vector.extract %reduce_max3A_274[15] : i32 from vector<16xi32>
        %eq3A_276 = arith.constant 15 : i32
        %eq3A_277 = vector.broadcast %eq3A_276 : i32 to vector<16xi32>
        %eq3A_278 = arith.cmpi eq, %iota3A, %eq3A_277 : vector<16xi32>
        %jit3A_279 = arith.constant 0 : i32
        %broadcast_in_dim3A_280 = vector.broadcast %jit3A_279 : i32 to vector<16xi32>
        %select_n3A_281 = arith.select %eq3A_278, %get3A_69, %broadcast_in_dim3A_280 : vector<16xi1>, vector<16xi32>
        %reduce_max3A_282 = arith.constant true
        %reduce_max3A_283 = vector.broadcast %reduce_max3A_282 : i1 to vector<16xi1>
        %reduce_max3A_284 = arith.constant -2147483648 : i32
        %reduce_max3A_285 = vector.broadcast %reduce_max3A_284 : i32 to vector<16xi32>
        %reduce_max3A_286 = arith.xori %select_n3A_281, %reduce_max3A_285 : vector<16xi32>
        %reduce_max3A_287 = tpu.scan <max>, %reduce_max3A_286 masked %reduce_max3A_283 : vector<16xi32>, vector<16xi1> -> vector<16xi32>
        %reduce_max3A_288 = arith.xori %reduce_max3A_287, %reduce_max3A_285 : vector<16xi32>
        %reduce_max3A_289 = vector.extract %reduce_max3A_288[15] : i32 from vector<16xi32>
        %scan3A_290 = arith.constant 0 : i32
        %scan3A_291 = arith.constant 48 : i32
        %scan3A_292 = arith.addi %scan3A_290, %scan3A_291 : i32
        %scan3A_293 = arith.constant 1 : i32
        %scan3A_294:16 = scf.for %scan3A_456 = %scan3A_290 to %scan3A_292 step %scan3A_293 iter_args(%scan3A_457 = %broadcast_in_dim3A_3, %scan3A_458 = %broadcast_in_dim3A_3, %scan3A_459 = %broadcast_in_dim3A_3, %scan3A_460 = %broadcast_in_dim3A_3, %scan3A_461 = %broadcast_in_dim3A_3, %scan3A_462 = %broadcast_in_dim3A_3, %scan3A_463 = %broadcast_in_dim3A_3, %scan3A_464 = %broadcast_in_dim3A_3, %scan3A_465 = %broadcast_in_dim3A_3, %scan3A_466 = %broadcast_in_dim3A_3, %scan3A_467 = %broadcast_in_dim3A_3, %scan3A_468 = %broadcast_in_dim3A_3, %scan3A_469 = %broadcast_in_dim3A_3, %scan3A_470 = %broadcast_in_dim3A_3, %scan3A_471 = %broadcast_in_dim3A_3, %scan3A_472 = %broadcast_in_dim3A_3) -> (vector<16xf32>, vector<16xf32>, vector<16xf32>, vector<16xf32>, vector<16xf32>, vector<16xf32>, vector<16xf32>, vector<16xf32>, vector<16xf32>, vector<16xf32>, vector<16xf32>, vector<16xf32>, vector<16xf32>, vector<16xf32>, vector<16xf32>, vector<16xf32>)  : i32 {
          %mul3A_473 = arith.constant 16 : i32
          %mul3A_474 = arith.muli %scan3A_456, %mul3A_473 : i32
          %add3A_475 = arith.constant 0 : i32
          %add3A_476 = arith.addi %mul3A_68, %add3A_475 : i32
          %get3A_477 = arith.index_cast %add3A_476 : i32 to index
          %get3A_478 = arith.index_cast %mul3A_474 : i32 to index
          %get3A_479 = tpu.vector_load %arg12[%get3A_477, %get3A_478] {strides = array<i32>} : memref<48x768xf32, #tpu.memory_space<vmem>>, vector<16xf32>,
          %get3A_480 = arith.index_cast %reduce_max3A_79 : i32 to index
          %get3A_481 = arith.index_cast %mul3A_474 : i32 to index
          %get3A_482 = tpu.vector_load %arg7[%get3A_480, %get3A_481] {strides = array<i32>} : memref<8x768xf32, #tpu.memory_space<vmem>>, vector<16xf32>,
          %mul3A_483 = arith.mulf %get3A_479, %get3A_482 : vector<16xf32>
          %add3A_484 = arith.addf %scan3A_457, %mul3A_483 : vector<16xf32>
          %add3A_485 = arith.constant 1 : i32
          %add3A_486 = arith.addi %mul3A_68, %add3A_485 : i32
          %get3A_487 = arith.index_cast %add3A_486 : i32 to index
          %get3A_488 = arith.index_cast %mul3A_474 : i32 to index
          %get3A_489 = tpu.vector_load %arg12[%get3A_487, %get3A_488] {strides = array<i32>} : memref<48x768xf32, #tpu.memory_space<vmem>>, vector<16xf32>,
          %get3A_490 = arith.index_cast %reduce_max3A_93 : i32 to index
          %get3A_491 = arith.index_cast %mul3A_474 : i32 to index
          %get3A_492 = tpu.vector_load %arg7[%get3A_490, %get3A_491] {strides = array<i32>} : memref<8x768xf32, #tpu.memory_space<vmem>>, vector<16xf32>,
          %mul3A_493 = arith.mulf %get3A_489, %get3A_492 : vector<16xf32>
          %add3A_494 = arith.addf %scan3A_458, %mul3A_493 : vector<16xf32>
          %add3A_495 = arith.constant 2 : i32
          %add3A_496 = arith.addi %mul3A_68, %add3A_495 : i32
          %get3A_497 = arith.index_cast %add3A_496 : i32 to index
          %get3A_498 = arith.index_cast %mul3A_474 : i32 to index
          %get3A_499 = tpu.vector_load %arg12[%get3A_497, %get3A_498] {strides = array<i32>} : memref<48x768xf32, #tpu.memory_space<vmem>>, vector<16xf32>,
          %get3A_500 = arith.index_cast %reduce_max3A_107 : i32 to index
          %get3A_501 = arith.index_cast %mul3A_474 : i32 to index
          %get3A_502 = tpu.vector_load %arg7[%get3A_500, %get3A_501] {strides = array<i32>} : memref<8x768xf32, #tpu.memory_space<vmem>>, vector<16xf32>,
          %mul3A_503 = arith.mulf %get3A_499, %get3A_502 : vector<16xf32>
          %add3A_504 = arith.addf %scan3A_459, %mul3A_503 : vector<16xf32>
          %add3A_505 = arith.constant 3 : i32
          %add3A_506 = arith.addi %mul3A_68, %add3A_505 : i32
          %get3A_507 = arith.index_cast %add3A_506 : i32 to index
          %get3A_508 = arith.index_cast %mul3A_474 : i32 to index
          %get3A_509 = tpu.vector_load %arg12[%get3A_507, %get3A_508] {strides = array<i32>} : memref<48x768xf32, #tpu.memory_space<vmem>>, vector<16xf32>,
          %get3A_510 = arith.index_cast %reduce_max3A_121 : i32 to index
          %get3A_511 = arith.index_cast %mul3A_474 : i32 to index
          %get3A_512 = tpu.vector_load %arg7[%get3A_510, %get3A_511] {strides = array<i32>} : memref<8x768xf32, #tpu.memory_space<vmem>>, vector<16xf32>,
          %mul3A_513 = arith.mulf %get3A_509, %get3A_512 : vector<16xf32>
          %add3A_514 = arith.addf %scan3A_460, %mul3A_513 : vector<16xf32>
          %add3A_515 = arith.constant 4 : i32
          %add3A_516 = arith.addi %mul3A_68, %add3A_515 : i32
          %get3A_517 = arith.index_cast %add3A_516 : i32 to index
          %get3A_518 = arith.index_cast %mul3A_474 : i32 to index
          %get3A_519 = tpu.vector_load %arg12[%get3A_517, %get3A_518] {strides = array<i32>} : memref<48x768xf32, #tpu.memory_space<vmem>>, vector<16xf32>,
          %get3A_520 = arith.index_cast %reduce_max3A_135 : i32 to index
          %get3A_521 = arith.index_cast %mul3A_474 : i32 to index
          %get3A_522 = tpu.vector_load %arg7[%get3A_520, %get3A_521] {strides = array<i32>} : memref<8x768xf32, #tpu.memory_space<vmem>>, vector<16xf32>,
          %mul3A_523 = arith.mulf %get3A_519, %get3A_522 : vector<16xf32>
          %add3A_524 = arith.addf %scan3A_461, %mul3A_523 : vector<16xf32>
          %add3A_525 = arith.constant 5 : i32
          %add3A_526 = arith.addi %mul3A_68, %add3A_525 : i32
          %get3A_527 = arith.index_cast %add3A_526 : i32 to index
          %get3A_528 = arith.index_cast %mul3A_474 : i32 to index
          %get3A_529 = tpu.vector_load %arg12[%get3A_527, %get3A_528] {strides = array<i32>} : memref<48x768xf32, #tpu.memory_space<vmem>>, vector<16xf32>,
          %get3A_530 = arith.index_cast %reduce_max3A_149 : i32 to index
          %get3A_531 = arith.index_cast %mul3A_474 : i32 to index
          %get3A_532 = tpu.vector_load %arg7[%get3A_530, %get3A_531] {strides = array<i32>} : memref<8x768xf32, #tpu.memory_space<vmem>>, vector<16xf32>,
          %mul3A_533 = arith.mulf %get3A_529, %get3A_532 : vector<16xf32>
          %add3A_534 = arith.addf %scan3A_462, %mul3A_533 : vector<16xf32>
          %add3A_535 = arith.constant 6 : i32
          %add3A_536 = arith.addi %mul3A_68, %add3A_535 : i32
          %get3A_537 = arith.index_cast %add3A_536 : i32 to index
          %get3A_538 = arith.index_cast %mul3A_474 : i32 to index
          %get3A_539 = tpu.vector_load %arg12[%get3A_537, %get3A_538] {strides = array<i32>} : memref<48x768xf32, #tpu.memory_space<vmem>>, vector<16xf32>,
          %get3A_540 = arith.index_cast %reduce_max3A_163 : i32 to index
          %get3A_541 = arith.index_cast %mul3A_474 : i32 to index
          %get3A_542 = tpu.vector_load %arg7[%get3A_540, %get3A_541] {strides = array<i32>} : memref<8x768xf32, #tpu.memory_space<vmem>>, vector<16xf32>,
          %mul3A_543 = arith.mulf %get3A_539, %get3A_542 : vector<16xf32>
          %add3A_544 = arith.addf %scan3A_463, %mul3A_543 : vector<16xf32>
          %add3A_545 = arith.constant 7 : i32
          %add3A_546 = arith.addi %mul3A_68, %add3A_545 : i32
          %get3A_547 = arith.index_cast %add3A_546 : i32 to index
          %get3A_548 = arith.index_cast %mul3A_474 : i32 to index
          %get3A_549 = tpu.vector_load %arg12[%get3A_547, %get3A_548] {strides = array<i32>} : memref<48x768xf32, #tpu.memory_space<vmem>>, vector<16xf32>,
          %get3A_550 = arith.index_cast %reduce_max3A_177 : i32 to index
          %get3A_551 = arith.index_cast %mul3A_474 : i32 to index
          %get3A_552 = tpu.vector_load %arg7[%get3A_550, %get3A_551] {strides = array<i32>} : memref<8x768xf32, #tpu.memory_space<vmem>>, vector<16xf32>,
          %mul3A_553 = arith.mulf %get3A_549, %get3A_552 : vector<16xf32>
          %add3A_554 = arith.addf %scan3A_464, %mul3A_553 : vector<16xf32>
          %add3A_555 = arith.constant 8 : i32
          %add3A_556 = arith.addi %mul3A_68, %add3A_555 : i32
          %get3A_557 = arith.index_cast %add3A_556 : i32 to index
          %get3A_558 = arith.index_cast %mul3A_474 : i32 to index
          %get3A_559 = tpu.vector_load %arg12[%get3A_557, %get3A_558] {strides = array<i32>} : memref<48x768xf32, #tpu.memory_space<vmem>>, vector<16xf32>,
          %get3A_560 = arith.index_cast %reduce_max3A_191 : i32 to index
          %get3A_561 = arith.index_cast %mul3A_474 : i32 to index
          %get3A_562 = tpu.vector_load %arg7[%get3A_560, %get3A_561] {strides = array<i32>} : memref<8x768xf32, #tpu.memory_space<vmem>>, vector<16xf32>,
          %mul3A_563 = arith.mulf %get3A_559, %get3A_562 : vector<16xf32>
          %add3A_564 = arith.addf %scan3A_465, %mul3A_563 : vector<16xf32>
          %add3A_565 = arith.constant 9 : i32
          %add3A_566 = arith.addi %mul3A_68, %add3A_565 : i32
          %get3A_567 = arith.index_cast %add3A_566 : i32 to index
          %get3A_568 = arith.index_cast %mul3A_474 : i32 to index
          %get3A_569 = tpu.vector_load %arg12[%get3A_567, %get3A_568] {strides = array<i32>} : memref<48x768xf32, #tpu.memory_space<vmem>>, vector<16xf32>,
          %get3A_570 = arith.index_cast %reduce_max3A_205 : i32 to index
          %get3A_571 = arith.index_cast %mul3A_474 : i32 to index
          %get3A_572 = tpu.vector_load %arg7[%get3A_570, %get3A_571] {strides = array<i32>} : memref<8x768xf32, #tpu.memory_space<vmem>>, vector<16xf32>,
          %mul3A_573 = arith.mulf %get3A_569, %get3A_572 : vector<16xf32>
          %add3A_574 = arith.addf %scan3A_466, %mul3A_573 : vector<16xf32>
          %add3A_575 = arith.constant 10 : i32
          %add3A_576 = arith.addi %mul3A_68, %add3A_575 : i32
          %get3A_577 = arith.index_cast %add3A_576 : i32 to index
          %get3A_578 = arith.index_cast %mul3A_474 : i32 to index
          %get3A_579 = tpu.vector_load %arg12[%get3A_577, %get3A_578] {strides = array<i32>} : memref<48x768xf32, #tpu.memory_space<vmem>>, vector<16xf32>,
          %get3A_580 = arith.index_cast %reduce_max3A_219 : i32 to index
          %get3A_581 = arith.index_cast %mul3A_474 : i32 to index
          %get3A_582 = tpu.vector_load %arg7[%get3A_580, %get3A_581] {strides = array<i32>} : memref<8x768xf32, #tpu.memory_space<vmem>>, vector<16xf32>,
          %mul3A_583 = arith.mulf %get3A_579, %get3A_582 : vector<16xf32>
          %add3A_584 = arith.addf %scan3A_467, %mul3A_583 : vector<16xf32>
          %add3A_585 = arith.constant 11 : i32
          %add3A_586 = arith.addi %mul3A_68, %add3A_585 : i32
          %get3A_587 = arith.index_cast %add3A_586 : i32 to index
          %get3A_588 = arith.index_cast %mul3A_474 : i32 to index
          %get3A_589 = tpu.vector_load %arg12[%get3A_587, %get3A_588] {strides = array<i32>} : memref<48x768xf32, #tpu.memory_space<vmem>>, vector<16xf32>,
          %get3A_590 = arith.index_cast %reduce_max3A_233 : i32 to index
          %get3A_591 = arith.index_cast %mul3A_474 : i32 to index
          %get3A_592 = tpu.vector_load %arg7[%get3A_590, %get3A_591] {strides = array<i32>} : memref<8x768xf32, #tpu.memory_space<vmem>>, vector<16xf32>,
          %mul3A_593 = arith.mulf %get3A_589, %get3A_592 : vector<16xf32>
          %add3A_594 = arith.addf %scan3A_468, %mul3A_593 : vector<16xf32>
          %add3A_595 = arith.constant 12 : i32
          %add3A_596 = arith.addi %mul3A_68, %add3A_595 : i32
          %get3A_597 = arith.index_cast %add3A_596 : i32 to index
          %get3A_598 = arith.index_cast %mul3A_474 : i32 to index
          %get3A_599 = tpu.vector_load %arg12[%get3A_597, %get3A_598] {strides = array<i32>} : memref<48x768xf32, #tpu.memory_space<vmem>>, vector<16xf32>,
          %get3A_600 = arith.index_cast %reduce_max3A_247 : i32 to index
          %get3A_601 = arith.index_cast %mul3A_474 : i32 to index
          %get3A_602 = tpu.vector_load %arg7[%get3A_600, %get3A_601] {strides = array<i32>} : memref<8x768xf32, #tpu.memory_space<vmem>>, vector<16xf32>,
          %mul3A_603 = arith.mulf %get3A_599, %get3A_602 : vector<16xf32>
          %add3A_604 = arith.addf %scan3A_469, %mul3A_603 : vector<16xf32>
          %add3A_605 = arith.constant 13 : i32
          %add3A_606 = arith.addi %mul3A_68, %add3A_605 : i32
          %get3A_607 = arith.index_cast %add3A_606 : i32 to index
          %get3A_608 = arith.index_cast %mul3A_474 : i32 to index
          %get3A_609 = tpu.vector_load %arg12[%get3A_607, %get3A_608] {strides = array<i32>} : memref<48x768xf32, #tpu.memory_space<vmem>>, vector<16xf32>,
          %get3A_610 = arith.index_cast %reduce_max3A_261 : i32 to index
          %get3A_611 = arith.index_cast %mul3A_474 : i32 to index
          %get3A_612 = tpu.vector_load %arg7[%get3A_610, %get3A_611] {strides = array<i32>} : memref<8x768xf32, #tpu.memory_space<vmem>>, vector<16xf32>,
          %mul3A_613 = arith.mulf %get3A_609, %get3A_612 : vector<16xf32>
          %add3A_614 = arith.addf %scan3A_470, %mul3A_613 : vector<16xf32>
          %add3A_615 = arith.constant 14 : i32
          %add3A_616 = arith.addi %mul3A_68, %add3A_615 : i32
          %get3A_617 = arith.index_cast %add3A_616 : i32 to index
          %get3A_618 = arith.index_cast %mul3A_474 : i32 to index
          %get3A_619 = tpu.vector_load %arg12[%get3A_617, %get3A_618] {strides = array<i32>} : memref<48x768xf32, #tpu.memory_space<vmem>>, vector<16xf32>,
          %get3A_620 = arith.index_cast %reduce_max3A_275 : i32 to index
          %get3A_621 = arith.index_cast %mul3A_474 : i32 to index
          %get3A_622 = tpu.vector_load %arg7[%get3A_620, %get3A_621] {strides = array<i32>} : memref<8x768xf32, #tpu.memory_space<vmem>>, vector<16xf32>,
          %mul3A_623 = arith.mulf %get3A_619, %get3A_622 : vector<16xf32>
          %add3A_624 = arith.addf %scan3A_471, %mul3A_623 : vector<16xf32>
          %add3A_625 = arith.constant 15 : i32
          %add3A_626 = arith.addi %mul3A_68, %add3A_625 : i32
          %get3A_627 = arith.index_cast %add3A_626 : i32 to index
          %get3A_628 = arith.index_cast %mul3A_474 : i32 to index
          %get3A_629 = tpu.vector_load %arg12[%get3A_627, %get3A_628] {strides = array<i32>} : memref<48x768xf32, #tpu.memory_space<vmem>>, vector<16xf32>,
          %get3A_630 = arith.index_cast %reduce_max3A_289 : i32 to index
          %get3A_631 = arith.index_cast %mul3A_474 : i32 to index
          %get3A_632 = tpu.vector_load %arg7[%get3A_630, %get3A_631] {strides = array<i32>} : memref<8x768xf32, #tpu.memory_space<vmem>>, vector<16xf32>,
          %mul3A_633 = arith.mulf %get3A_629, %get3A_632 : vector<16xf32>
          %add3A_634 = arith.addf %scan3A_472, %mul3A_633 : vector<16xf32>
          scf.yield %add3A_484, %add3A_494, %add3A_504, %add3A_514, %add3A_524, %add3A_534, %add3A_544, %add3A_554, %add3A_564, %add3A_574, %add3A_584, %add3A_594, %add3A_604, %add3A_614, %add3A_624, %add3A_634 : vector<16xf32>, vector<16xf32>, vector<16xf32>, vector<16xf32>, vector<16xf32>, vector<16xf32>, vector<16xf32>, vector<16xf32>, vector<16xf32>, vector<16xf32>, vector<16xf32>, vector<16xf32>, vector<16xf32>, vector<16xf32>, vector<16xf32>, vector<16xf32>
        }
        %scan3A_295 = arith.constant 48 : i32
        %reduce_sum3A = arith.constant true
        %reduce_sum3A_296 = vector.broadcast %reduce_sum3A : i1 to vector<16xi1>
        %reduce_sum3A_297 = tpu.scan <sum>, %scan3A_294#0 masked %reduce_sum3A_296 : vector<16xf32>, vector<16xi1> -> vector<16xf32>
        %reduce_sum3A_298 = vector.extract %reduce_sum3A_297[15] : f32 from vector<16xf32>
        %eq3A_299 = arith.constant 0 : i32
        %eq3A_300 = vector.broadcast %eq3A_299 : i32 to vector<16xi32>
        %eq3A_301 = arith.cmpi eq, %iota3A, %eq3A_300 : vector<16xi32>
        %add3A_302 = vector.broadcast %reduce_sum3A_298 : f32 to vector<16xf32>
        %add3A_303 = arith.addf %gather3A, %add3A_302 : vector<16xf32>
        %select_n3A_304 = arith.select %eq3A_301, %add3A_303, %gather3A : vector<16xi1>, vector<16xf32>
        %reduce_sum3A_305 = arith.constant true
        %reduce_sum3A_306 = vector.broadcast %reduce_sum3A_305 : i1 to vector<16xi1>
        %reduce_sum3A_307 = tpu.scan <sum>, %scan3A_294#1 masked %reduce_sum3A_306 : vector<16xf32>, vector<16xi1> -> vector<16xf32>
        %reduce_sum3A_308 = vector.extract %reduce_sum3A_307[15] : f32 from vector<16xf32>
        %eq3A_309 = arith.constant 1 : i32
        %eq3A_310 = vector.broadcast %eq3A_309 : i32 to vector<16xi32>
        %eq3A_311 = arith.cmpi eq, %iota3A, %eq3A_310 : vector<16xi32>
        %add3A_312 = vector.broadcast %reduce_sum3A_308 : f32 to vector<16xf32>
        %add3A_313 = arith.addf %gather3A, %add3A_312 : vector<16xf32>
        %select_n3A_314 = arith.select %eq3A_311, %add3A_313, %select_n3A_304 : vector<16xi1>, vector<16xf32>
        %reduce_sum3A_315 = arith.constant true
        %reduce_sum3A_316 = vector.broadcast %reduce_sum3A_315 : i1 to vector<16xi1>
        %reduce_sum3A_317 = tpu.scan <sum>, %scan3A_294#2 masked %reduce_sum3A_316 : vector<16xf32>, vector<16xi1> -> vector<16xf32>
        %reduce_sum3A_318 = vector.extract %reduce_sum3A_317[15] : f32 from vector<16xf32>
        %eq3A_319 = arith.constant 2 : i32
        %eq3A_320 = vector.broadcast %eq3A_319 : i32 to vector<16xi32>
        %eq3A_321 = arith.cmpi eq, %iota3A, %eq3A_320 : vector<16xi32>
        %add3A_322 = vector.broadcast %reduce_sum3A_318 : f32 to vector<16xf32>
        %add3A_323 = arith.addf %gather3A, %add3A_322 : vector<16xf32>
        %select_n3A_324 = arith.select %eq3A_321, %add3A_323, %select_n3A_314 : vector<16xi1>, vector<16xf32>
        %reduce_sum3A_325 = arith.constant true
        %reduce_sum3A_326 = vector.broadcast %reduce_sum3A_325 : i1 to vector<16xi1>
        %reduce_sum3A_327 = tpu.scan <sum>, %scan3A_294#3 masked %reduce_sum3A_326 : vector<16xf32>, vector<16xi1> -> vector<16xf32>
        %reduce_sum3A_328 = vector.extract %reduce_sum3A_327[15] : f32 from vector<16xf32>
        %eq3A_329 = arith.constant 3 : i32
        %eq3A_330 = vector.broadcast %eq3A_329 : i32 to vector<16xi32>
        %eq3A_331 = arith.cmpi eq, %iota3A, %eq3A_330 : vector<16xi32>
        %add3A_332 = vector.broadcast %reduce_sum3A_328 : f32 to vector<16xf32>
        %add3A_333 = arith.addf %gather3A, %add3A_332 : vector<16xf32>
        %select_n3A_334 = arith.select %eq3A_331, %add3A_333, %select_n3A_324 : vector<16xi1>, vector<16xf32>
        %reduce_sum3A_335 = arith.constant true
        %reduce_sum3A_336 = vector.broadcast %reduce_sum3A_335 : i1 to vector<16xi1>
        %reduce_sum3A_337 = tpu.scan <sum>, %scan3A_294#4 masked %reduce_sum3A_336 : vector<16xf32>, vector<16xi1> -> vector<16xf32>
        %reduce_sum3A_338 = vector.extract %reduce_sum3A_337[15] : f32 from vector<16xf32>
        %eq3A_339 = arith.constant 4 : i32
        %eq3A_340 = vector.broadcast %eq3A_339 : i32 to vector<16xi32>
        %eq3A_341 = arith.cmpi eq, %iota3A, %eq3A_340 : vector<16xi32>
        %add3A_342 = vector.broadcast %reduce_sum3A_338 : f32 to vector<16xf32>
        %add3A_343 = arith.addf %gather3A, %add3A_342 : vector<16xf32>
        %select_n3A_344 = arith.select %eq3A_341, %add3A_343, %select_n3A_334 : vector<16xi1>, vector<16xf32>
        %reduce_sum3A_345 = arith.constant true
        %reduce_sum3A_346 = vector.broadcast %reduce_sum3A_345 : i1 to vector<16xi1>
        %reduce_sum3A_347 = tpu.scan <sum>, %scan3A_294#5 masked %reduce_sum3A_346 : vector<16xf32>, vector<16xi1> -> vector<16xf32>
        %reduce_sum3A_348 = vector.extract %reduce_sum3A_347[15] : f32 from vector<16xf32>
        %eq3A_349 = arith.constant 5 : i32
        %eq3A_350 = vector.broadcast %eq3A_349 : i32 to vector<16xi32>
        %eq3A_351 = arith.cmpi eq, %iota3A, %eq3A_350 : vector<16xi32>
        %add3A_352 = vector.broadcast %reduce_sum3A_348 : f32 to vector<16xf32>
        %add3A_353 = arith.addf %gather3A, %add3A_352 : vector<16xf32>
        %select_n3A_354 = arith.select %eq3A_351, %add3A_353, %select_n3A_344 : vector<16xi1>, vector<16xf32>
        %reduce_sum3A_355 = arith.constant true
        %reduce_sum3A_356 = vector.broadcast %reduce_sum3A_355 : i1 to vector<16xi1>
        %reduce_sum3A_357 = tpu.scan <sum>, %scan3A_294#6 masked %reduce_sum3A_356 : vector<16xf32>, vector<16xi1> -> vector<16xf32>
        %reduce_sum3A_358 = vector.extract %reduce_sum3A_357[15] : f32 from vector<16xf32>
        %eq3A_359 = arith.constant 6 : i32
        %eq3A_360 = vector.broadcast %eq3A_359 : i32 to vector<16xi32>
        %eq3A_361 = arith.cmpi eq, %iota3A, %eq3A_360 : vector<16xi32>
        %add3A_362 = vector.broadcast %reduce_sum3A_358 : f32 to vector<16xf32>
        %add3A_363 = arith.addf %gather3A, %add3A_362 : vector<16xf32>
        %select_n3A_364 = arith.select %eq3A_361, %add3A_363, %select_n3A_354 : vector<16xi1>, vector<16xf32>
        %reduce_sum3A_365 = arith.constant true
        %reduce_sum3A_366 = vector.broadcast %reduce_sum3A_365 : i1 to vector<16xi1>
        %reduce_sum3A_367 = tpu.scan <sum>, %scan3A_294#7 masked %reduce_sum3A_366 : vector<16xf32>, vector<16xi1> -> vector<16xf32>
        %reduce_sum3A_368 = vector.extract %reduce_sum3A_367[15] : f32 from vector<16xf32>
        %eq3A_369 = arith.constant 7 : i32
        %eq3A_370 = vector.broadcast %eq3A_369 : i32 to vector<16xi32>
        %eq3A_371 = arith.cmpi eq, %iota3A, %eq3A_370 : vector<16xi32>
        %add3A_372 = vector.broadcast %reduce_sum3A_368 : f32 to vector<16xf32>
        %add3A_373 = arith.addf %gather3A, %add3A_372 : vector<16xf32>
        %select_n3A_374 = arith.select %eq3A_371, %add3A_373, %select_n3A_364 : vector<16xi1>, vector<16xf32>
        %reduce_sum3A_375 = arith.constant true
        %reduce_sum3A_376 = vector.broadcast %reduce_sum3A_375 : i1 to vector<16xi1>
        %reduce_sum3A_377 = tpu.scan <sum>, %scan3A_294#8 masked %reduce_sum3A_376 : vector<16xf32>, vector<16xi1> -> vector<16xf32>
        %reduce_sum3A_378 = vector.extract %reduce_sum3A_377[15] : f32 from vector<16xf32>
        %eq3A_379 = arith.constant 8 : i32
        %eq3A_380 = vector.broadcast %eq3A_379 : i32 to vector<16xi32>
        %eq3A_381 = arith.cmpi eq, %iota3A, %eq3A_380 : vector<16xi32>
        %add3A_382 = vector.broadcast %reduce_sum3A_378 : f32 to vector<16xf32>
        %add3A_383 = arith.addf %gather3A, %add3A_382 : vector<16xf32>
        %select_n3A_384 = arith.select %eq3A_381, %add3A_383, %select_n3A_374 : vector<16xi1>, vector<16xf32>
        %reduce_sum3A_385 = arith.constant true
        %reduce_sum3A_386 = vector.broadcast %reduce_sum3A_385 : i1 to vector<16xi1>
        %reduce_sum3A_387 = tpu.scan <sum>, %scan3A_294#9 masked %reduce_sum3A_386 : vector<16xf32>, vector<16xi1> -> vector<16xf32>
        %reduce_sum3A_388 = vector.extract %reduce_sum3A_387[15] : f32 from vector<16xf32>
        %eq3A_389 = arith.constant 9 : i32
        %eq3A_390 = vector.broadcast %eq3A_389 : i32 to vector<16xi32>
        %eq3A_391 = arith.cmpi eq, %iota3A, %eq3A_390 : vector<16xi32>
        %add3A_392 = vector.broadcast %reduce_sum3A_388 : f32 to vector<16xf32>
        %add3A_393 = arith.addf %gather3A, %add3A_392 : vector<16xf32>
        %select_n3A_394 = arith.select %eq3A_391, %add3A_393, %select_n3A_384 : vector<16xi1>, vector<16xf32>
        %reduce_sum3A_395 = arith.constant true
        %reduce_sum3A_396 = vector.broadcast %reduce_sum3A_395 : i1 to vector<16xi1>
        %reduce_sum3A_397 = tpu.scan <sum>, %scan3A_294#10 masked %reduce_sum3A_396 : vector<16xf32>, vector<16xi1> -> vector<16xf32>
        %reduce_sum3A_398 = vector.extract %reduce_sum3A_397[15] : f32 from vector<16xf32>
        %eq3A_399 = arith.constant 10 : i32
        %eq3A_400 = vector.broadcast %eq3A_399 : i32 to vector<16xi32>
        %eq3A_401 = arith.cmpi eq, %iota3A, %eq3A_400 : vector<16xi32>
        %add3A_402 = vector.broadcast %reduce_sum3A_398 : f32 to vector<16xf32>
        %add3A_403 = arith.addf %gather3A, %add3A_402 : vector<16xf32>
        %select_n3A_404 = arith.select %eq3A_401, %add3A_403, %select_n3A_394 : vector<16xi1>, vector<16xf32>
        %reduce_sum3A_405 = arith.constant true
        %reduce_sum3A_406 = vector.broadcast %reduce_sum3A_405 : i1 to vector<16xi1>
        %reduce_sum3A_407 = tpu.scan <sum>, %scan3A_294#11 masked %reduce_sum3A_406 : vector<16xf32>, vector<16xi1> -> vector<16xf32>
        %reduce_sum3A_408 = vector.extract %reduce_sum3A_407[15] : f32 from vector<16xf32>
        %eq3A_409 = arith.constant 11 : i32
        %eq3A_410 = vector.broadcast %eq3A_409 : i32 to vector<16xi32>
        %eq3A_411 = arith.cmpi eq, %iota3A, %eq3A_410 : vector<16xi32>
        %add3A_412 = vector.broadcast %reduce_sum3A_408 : f32 to vector<16xf32>
        %add3A_413 = arith.addf %gather3A, %add3A_412 : vector<16xf32>
        %select_n3A_414 = arith.select %eq3A_411, %add3A_413, %select_n3A_404 : vector<16xi1>, vector<16xf32>
        %reduce_sum3A_415 = arith.constant true
        %reduce_sum3A_416 = vector.broadcast %reduce_sum3A_415 : i1 to vector<16xi1>
        %reduce_sum3A_417 = tpu.scan <sum>, %scan3A_294#12 masked %reduce_sum3A_416 : vector<16xf32>, vector<16xi1> -> vector<16xf32>
        %reduce_sum3A_418 = vector.extract %reduce_sum3A_417[15] : f32 from vector<16xf32>
        %eq3A_419 = arith.constant 12 : i32
        %eq3A_420 = vector.broadcast %eq3A_419 : i32 to vector<16xi32>
        %eq3A_421 = arith.cmpi eq, %iota3A, %eq3A_420 : vector<16xi32>
        %add3A_422 = vector.broadcast %reduce_sum3A_418 : f32 to vector<16xf32>
        %add3A_423 = arith.addf %gather3A, %add3A_422 : vector<16xf32>
        %select_n3A_424 = arith.select %eq3A_421, %add3A_423, %select_n3A_414 : vector<16xi1>, vector<16xf32>
        %reduce_sum3A_425 = arith.constant true
        %reduce_sum3A_426 = vector.broadcast %reduce_sum3A_425 : i1 to vector<16xi1>
        %reduce_sum3A_427 = tpu.scan <sum>, %scan3A_294#13 masked %reduce_sum3A_426 : vector<16xf32>, vector<16xi1> -> vector<16xf32>
        %reduce_sum3A_428 = vector.extract %reduce_sum3A_427[15] : f32 from vector<16xf32>
        %eq3A_429 = arith.constant 13 : i32
        %eq3A_430 = vector.broadcast %eq3A_429 : i32 to vector<16xi32>
        %eq3A_431 = arith.cmpi eq, %iota3A, %eq3A_430 : vector<16xi32>
        %add3A_432 = vector.broadcast %reduce_sum3A_428 : f32 to vector<16xf32>
        %add3A_433 = arith.addf %gather3A, %add3A_432 : vector<16xf32>
        %select_n3A_434 = arith.select %eq3A_431, %add3A_433, %select_n3A_424 : vector<16xi1>, vector<16xf32>
        %reduce_sum3A_435 = arith.constant true
        %reduce_sum3A_436 = vector.broadcast %reduce_sum3A_435 : i1 to vector<16xi1>
        %reduce_sum3A_437 = tpu.scan <sum>, %scan3A_294#14 masked %reduce_sum3A_436 : vector<16xf32>, vector<16xi1> -> vector<16xf32>
        %reduce_sum3A_438 = vector.extract %reduce_sum3A_437[15] : f32 from vector<16xf32>
        %eq3A_439 = arith.constant 14 : i32
        %eq3A_440 = vector.broadcast %eq3A_439 : i32 to vector<16xi32>
        %eq3A_441 = arith.cmpi eq, %iota3A, %eq3A_440 : vector<16xi32>
        %add3A_442 = vector.broadcast %reduce_sum3A_438 : f32 to vector<16xf32>
        %add3A_443 = arith.addf %gather3A, %add3A_442 : vector<16xf32>
        %select_n3A_444 = arith.select %eq3A_441, %add3A_443, %select_n3A_434 : vector<16xi1>, vector<16xf32>
        %reduce_sum3A_445 = arith.constant true
        %reduce_sum3A_446 = vector.broadcast %reduce_sum3A_445 : i1 to vector<16xi1>
        %reduce_sum3A_447 = tpu.scan <sum>, %scan3A_294#15 masked %reduce_sum3A_446 : vector<16xf32>, vector<16xi1> -> vector<16xf32>
        %reduce_sum3A_448 = vector.extract %reduce_sum3A_447[15] : f32 from vector<16xf32>
        %eq3A_449 = arith.constant 15 : i32
        %eq3A_450 = vector.broadcast %eq3A_449 : i32 to vector<16xi32>
        %eq3A_451 = arith.cmpi eq, %iota3A, %eq3A_450 : vector<16xi32>
        %add3A_452 = vector.broadcast %reduce_sum3A_448 : f32 to vector<16xf32>
        %add3A_453 = arith.addf %gather3A, %add3A_452 : vector<16xf32>
        %select_n3A_454 = arith.select %eq3A_451, %add3A_453, %select_n3A_444 : vector<16xi1>, vector<16xf32>
        %swap3A = arith.index_cast %add3A_66 : i32 to index
        %swap3A_455 = tpu.vector_load %arg10[%swap3A] {strides = array<i32>} : memref<480xf32, #tpu.memory_space<vmem>>, vector<16xf32>,
        tpu.vector_store %arg10[%swap3A], %select_n3A_454 {strides = array<i32>} : memref<480xf32, #tpu.memory_space<vmem>>, vector<16xf32>,
      }
      %scan3A_53 = arith.constant 3 : i32
      %add3A_54 = arith.constant 2 : i32
      %add3A_55 = arith.addi %add3A_41, %add3A_54 : i32
      %lt3A_56 = arith.constant 10 : i32
      %lt3A_57 = arith.cmpi slt, %add3A_55, %lt3A_56 : i32
      %convert_element_type3A_58 = arith.extui %lt3A_57 : i1 to i32
      %cond3A_59 = arith.constant 0 : i32
      %cond3A_60 = arith.cmpi ne, %convert_element_type3A_58, %cond3A_59 : i32
      scf.if %cond3A_60 {
        %mul3A_61 = arith.constant 48 : i32
        %mul3A_62 = arith.muli %add3A_55, %mul3A_61 : i32
        %add3A_63 = arith.addi %mul3A_2, %mul3A_62 : i32
        %dma_start3A_64 = arith.constant 0 : i32
        %dma_start3A_65 = tpu.memref_slice %arg3[%add3A_63, %dma_start3A_64] : memref<32768x768xf32, #tpu.memory_space<hbm>> -> memref<48x768xf32, #tpu.memory_space<hbm>>
        %dma_start3A_66 = arith.constant 0 : i32
        %dma_start3A_67 = tpu.memref_slice %arg3[%add3A_63, %dma_start3A_66] : memref<32768x768xf32, #tpu.memory_space<hbm>> -> memref<48x768xf32, #tpu.memory_space<hbm>>
        tpu.enqueue_dma source(%dma_start3A_67 : memref<48x768xf32, #tpu.memory_space<hbm>>) target(%arg12 : memref<48x768xf32, #tpu.memory_space<vmem>>) target_semaphore(%arg14 : memref<!tpu.dma_semaphore, #tpu.memory_space<semaphore_mem>>)
      } else {
      }
    }
    %scan3A_17 = arith.constant 5 : i32
    "tpu.region"() ({
      %run_scoped3A = tpu.sem_alloc : memref<!tpu.dma_semaphore, #tpu.memory_space<semaphore_mem>>
      %dma_start3A_18 = tpu.memref_slice %arg6[%mul3A_2] : memref<15360xf32, #tpu.memory_space<hbm>> -> memref<480xf32, #tpu.memory_space<hbm>>
      %dma_start3A_19 = tpu.memref_slice %arg6[%mul3A_2] : memref<15360xf32, #tpu.memory_space<hbm>> -> memref<480xf32, #tpu.memory_space<hbm>>
      tpu.enqueue_dma source(%arg10 : memref<480xf32, #tpu.memory_space<vmem>>) target(%dma_start3A_19 : memref<480xf32, #tpu.memory_space<hbm>>) target_semaphore(%run_scoped3A : memref<!tpu.dma_semaphore, #tpu.memory_space<semaphore_mem>>)
      %dma_wait3A = tpu.memref_slice %arg6[%mul3A_2] : memref<15360xf32, #tpu.memory_space<hbm>> -> memref<480xf32, #tpu.memory_space<hbm>>
      %dma_wait3A_20 = tpu.memref_slice %arg6[%mul3A_2] : memref<15360xf32, #tpu.memory_space<hbm>> -> memref<480xf32, #tpu.memory_space<hbm>>
      tpu.wait_dma2 semaphore(%run_scoped3A : memref<!tpu.dma_semaphore, #tpu.memory_space<semaphore_mem>>) src(%arg10 : memref<480xf32, #tpu.memory_space<vmem>>) dst(%dma_wait3A_20 : memref<480xf32, #tpu.memory_space<hbm>>)
      tpu.yield
    }) : () -> ()
    return
  }
}

module attributes {stable_mosaic.version = 14 : i64} {
  func.func @_tc_body(%arg0: i32, %arg1: memref<1024xi32, #tpu.memory_space<vmem>>, %arg2: memref<1024x768xf32, #tpu.memory_space<vmem>>, %arg3: memref<8x768xf32, #tpu.memory_space<vmem>>, %arg4: memref<1x8xf32, #tpu.memory_space<vmem>>, %arg5: memref<1024xf32, #tpu.memory_space<vmem>>) attributes {dimension_semantics = [#tpu.dimension_semantics<arbitrary>], iteration_bounds = array<i64: 17>, scalar_prefetch = 0 : i64, scratch_operands = 0 : i64, tpu.core_type = #tpu.core_type<tc>, window_params = [{transform_indices = @transform_0, window_bounds = array<i64: 1024>}, {transform_indices = @transform_1, window_bounds = array<i64: 1024, 768>}, {pipeline_mode = #tpu.pipeline_mode<synchronous>, transform_indices = @transform_2, window_bounds = array<i64: 8, 768>}, {pipeline_mode = #tpu.pipeline_mode<synchronous>, transform_indices = @transform_3, window_bounds = array<i64: 1, 8>}, {transform_indices = @transform_4, window_bounds = array<i64: 1024>}]} {
    %get3A = arith.constant 0 : index
    %get3A_0 = arith.constant 0 : index
    %get3A_1 = vector.load %arg2[%get3A, %get3A_0] : memref<1024x768xf32, #tpu.memory_space<vmem>>, vector<1024x768xf32>
    %get3A_2 = arith.constant 0 : index
    %get3A_3 = arith.constant 0 : index
    %get3A_4 = vector.load %arg3[%get3A_2, %get3A_3] : memref<8x768xf32, #tpu.memory_space<vmem>>, vector<8x768xf32>
    %dot_general3A = arith.constant dense<0.000000e+00> : vector<1024x8xf32>
    %dot_general3A_5 = tpu.matmul %get3A_1, %get3A_4, %dot_general3A {dimension_numbers = #tpu.dot_dimension_numbers<[1], [1], [0], [0], [0, 0, 1, 0], [], []>, transpose_lhs_hint = false} : vector<1024x768xf32>, vector<8x768xf32>, vector<1024x8xf32> -> vector<1024x8xf32>
    %get3A_6 = arith.constant 0 : index
    %get3A_7 = vector.load %arg1[%get3A_6] : memref<1024xi32, #tpu.memory_space<vmem>>, vector<1024xi32>
    %iota3A = tpu.iota {dimensions = array<i32: 1>} : vector<1024x8xi32>
    %broadcast_in_dim3A = vector.shape_cast %get3A_7 : vector<1024xi32> to vector<1024x1xi32>
    %eq3A = vector.broadcast %broadcast_in_dim3A : vector<1024x1xi32> to vector<1024x8xi32>
    %eq3A_8 = arith.cmpi eq, %iota3A, %eq3A : vector<1024x8xi32>
    %get3A_9 = arith.constant 0 : index
    %get3A_10 = arith.constant 0 : index
    %get3A_11 = vector.load %arg4[%get3A_9, %get3A_10] : memref<1x8xf32, #tpu.memory_space<vmem>>, vector<1x8xf32>
    %add3A = vector.broadcast %get3A_11 : vector<1x8xf32> to vector<1024x8xf32>
    %add3A_12 = arith.addf %dot_general3A_5, %add3A : vector<1024x8xf32>
    %jit3A = arith.constant 0.000000e+00 : f32
    %broadcast_in_dim3A_13 = vector.broadcast %jit3A : f32 to vector<1024x8xf32>
    %select_n3A = arith.select %eq3A_8, %add3A_12, %broadcast_in_dim3A_13 : vector<1024x8xi1>, vector<1024x8xf32>
    %reduce_sum3A = arith.constant dense<0.000000e+00> : vector<1024xf32>
    %reduce_sum3A_14 = vector.multi_reduction <add>, %select_n3A, %reduce_sum3A [1] : vector<1024x8xf32> to vector<1024xf32>
    %swap3A = arith.constant 0 : index
    %swap3A_15 = vector.load %arg5[%swap3A] : memref<1024xf32, #tpu.memory_space<vmem>>, vector<1024xf32>
    tpu.vector_store %arg5[%swap3A], %reduce_sum3A_14 {strides = array<i32>} : memref<1024xf32, #tpu.memory_space<vmem>>, vector<1024xf32>,
    return
  }
  func.func @transform_0(%arg0: i32) -> i32 {
    %add3A = arith.constant 15 : i32
    %add3A_0 = arith.addi %arg0, %add3A : i32
    %c0_i32 = arith.constant 0 : i32
    return %add3A_0 : i32
  }
  func.func @transform_1(%arg0: i32) -> (i32, i32) {
    %add3A = arith.constant 15 : i32
    %add3A_0 = arith.addi %arg0, %add3A : i32
    %c0_i32 = arith.constant 0 : i32
    %c0_i32_1 = arith.constant 0 : i32
    return %add3A_0, %c0_i32 : i32, i32
  }
  func.func @transform_2(%arg0: i32) -> (i32, i32) {
    %c0_i32 = arith.constant 0 : i32
    %c0_i32_0 = arith.constant 0 : i32
    %c0_i32_1 = arith.constant 0 : i32
    return %c0_i32, %c0_i32_0 : i32, i32
  }
  func.func @transform_3(%arg0: i32) -> (i32, i32) {
    %c0_i32 = arith.constant 0 : i32
    %c0_i32_0 = arith.constant 0 : i32
    %c0_i32_1 = arith.constant 0 : i32
    return %c0_i32, %c0_i32_0 : i32, i32
  }
  func.func @transform_4(%arg0: i32) -> i32 {
    %c0_i32 = arith.constant 0 : i32
    return %arg0 : i32
  }
}

</mosaic_0001>

<sc_bundles>
// kernel: kernel.4.cloned.1.call-start
scs
__scs_entry_jumppad:
0x0: {  	(pc) =	sbr.rel $0x88, $3  }
0x1: {  	(tag) =	ssettag $0x0;
	lr =	simm.s32 $0x1  }
0x2: {  	[smem:$0x3F9D] =	sst lr;
	_ =	strace $0xD0000000  }
0x3: {  	_ = 	snop  }
0x4: {  	_ = 	snop  }
0x5: {  	_ = 	snop  }
0x6: {  	_ = 	snop  }
0x7: {  	_ = 	snop  }
__scs_overlays_trampoline_lowered:
0x8: {  	[smem:$0x3FAC] =	sst s0  }
0x9: {  	[smem:$0x3FAD] =	sst s1  }
0xa: {  	[smem:$0x3FAE] =	sst s2  }
0xb: {  	[smem:$0x3FAF] =	sst s3  }
0xc: {  	[smem:$0x3FB0] =	sst s4  }
0xd: {  	[smem:$0x3FB1] =	sst s5  }
0xe: {  	[smem:$0x3FB2] =	sst s6  }
0xf: {  	[smem:$0x3FB3] =	sst s7  }
0x10: {  	[smem:$0x3FB4] =	sst s8  }
0x11: {  	[smem:$0x3FB5] =	sst s9;
	s0 =	simm.s32 @!p0 $0x0  }
0x12: {  	s1 =	sld [smem:$0x3F9B];
	s0 =	simm.s32 @p0 $0x1  }
0x13: {  	[smem:$0x3FB6] =	sst s0;
	s0 =	simm.s32 @!p1 $0x0  }
0x14: {  	s2 =	sld [smem:$0x3F9A];
	s0 =	simm.s32 @p1 $0x1  }
0x15: {  	[smem:$0x3FB7] =	sst s0;
	s0 =	simm.s32 @!p2 $0x0  }
0x16: {  	s3 =	sld [smem:$0x3FDB];
	s0 =	simm.s32 @p2 $0x1  }
0x17: {  	s4 =	simm.s32 $0x1BF5;
	[smem:$0x3FB9] =	sst s0  }
0x18: {  	s0 =	sld [smem:$0x3F9C];
	_ =	swait.ge [sflag:s4], $0x0  }
0x19: {  	s7 =	sld [smem:$0x3F9D]  }
0x1a: {  	s8 =	sadd.s32 $0xFFFFE003, lr  }
0x1b: {  	s9 =	sadd.s32 $0xFFFFFEF7, lr;
	s5 =	simm.s32 $0xFFFFFFFF;
	p2 =	slt.u32 s8, $0xFFFFF086  }
0x1c: {  	p1 =	slt.u32 s9, $0xF7A;
	s5 =	simm.s32 @!p2 $0x0  }
0x1d: {  	s5 =	simm.s32 @p1 $0x1;
	p0 =	seq.s32 s7, s2  }
0x1e: {  	s7 =	smul.u32 @!p0 $0xF7A, s2;
	p2 =	seq.s32 @!p0 s5, $0x0  }
0x1f: {  	s9 =	smul.u32 $0xF7A, s1;
	s8 =	simm.s32 @!p0 $0x1BF5;
	p2 =	por !p2, p0  }
0x20: {  	[sflag:s8] =	ssyncset.s32 @!p0 $0xFFFFF086;
	s6 =	sadd.s32 @!p0 s3, s7;
	s7 =	simm.s32 @!p0 $0x108  }
0x21: {  	s3 =	sadd.s32 s3, s9;
	s6 =	sadd.s32 @!p0 $0x88, s6;
	s7 =	simm.s32 @p2 $0x1082  }
0x22: {  	[simem:s7], [sflag:s8] =	dma.local @!p0 [hbm:s6], $0xF7A  }
0x23: {  	s9 =	sor.u32 $0xD0000000, s2;
	s6 =	simm.s32 $0x108;
	_ =	swait.ge @!p0 [sflag:s8], $0x0  }
0x24: {  	s3 =	sadd.s32 $0x88, s3;
	s6 =	simm.s32 @!p1 $0x1082;
	[sflag:s4] =	ssyncset.s32 $0xFFFFF086  }
0x25: {  	[simem:s6], [sflag:s4] =	dma.local [hbm:s3], $0xF7A  }
0x26: {  	[smem:$0x3F9D] =	sst s1;
	(tag) =	ssettag s2;
	_ =	strace s9  }
0x27: {  	s1 =	sld [smem:$0x3FAD]  }
0x28: {  	s2 =	sld [smem:$0x3FAE]  }
0x29: {  	s4 =	sld [smem:$0x3FB0]  }
0x2a: {  	p0 =	seq.s32 s5, $0x0;
	s5 =	sld [smem:$0x3FB1]  }
0x2b: {  	s6 =	sld [smem:$0x3FB2]  }
0x2c: {  	s7 =	sld [smem:$0x3FB3]  }
0x2d: {  	s3 =	simm.s32 $0x108;
	s8 =	sld [smem:$0x3FB4]  }
0x2e: {  	s3 =	simm.s32 @!p0 $0x1082;
	s9 =	sld [smem:$0x3FB5]  }
0x2f: {  	lr =	sadd.s32 s0, s3;
	s0 =	sld [smem:$0x3FAC]  }
0x30: {  	s3 =	sld [smem:$0x3FAF]  }
0x31: {  	[smem:$0x3FB8] =	sst s10  }
0x32: {  	s10 =	sld [smem:$0x3FB6];
	_ =	sdelay $0x3  }
0x33: {  	p0 =	seq.s32 s10, $0x1;
	s10 =	sld [smem:$0x3FB8];
	_ =	sdelay $0x3  }
0x34: {  	[smem:$0x3FB8] =	sst s10  }
0x35: {  	s10 =	sld [smem:$0x3FB7];
	_ =	sdelay $0x3  }
0x36: {  	p1 =	seq.s32 s10, $0x1;
	s10 =	sld [smem:$0x3FB8];
	_ =	sdelay $0x3  }
0x37: {  	[smem:$0x3FB8] =	sst s10  }
0x38: {  	s10 =	sld [smem:$0x3FB9]  }
0x39: {  	_ = 	snop;
	(pc) =	sbr.ind lr, $3  }
0x3a: {  	_ = 	snop  }
0x3b: {  	_ = 	snop  }
0x3c: {  	p2 =	seq.s32 s10, $0x1;
	s10 =	sld [smem:$0x3FB8]  }
0x3d: {  	_ =	shalt  }
0x3e: {  	_ =	shalt  }
0x3f: {  	_ =	shalt  }
0x40: {  	_ =	shalt  }
0x41: {  	_ =	shalt  }
0x42: {  	_ =	shalt  }
0x43: {  	_ =	shalt  }
0x44: {  	_ =	shalt  }
0x45: {  	_ =	shalt  }
0x46: {  	_ =	shalt  }
0x47: {  	_ =	shalt  }
0x48: {  	_ =	shalt  }
0x49: {  	_ =	shalt  }
0x4a: {  	_ =	shalt  }
0x4b: {  	_ =	shalt  }
0x4c: {  	_ =	shalt  }
0x4d: {  	_ =	shalt  }
0x4e: {  	_ =	shalt  }
0x4f: {  	_ =	shalt  }
0x50: {  	_ =	shalt  }
0x51: {  	_ =	shalt  }
0x52: {  	_ =	shalt  }
0x53: {  	_ =	shalt  }
0x54: {  	_ =	shalt  }
0x55: {  	_ =	shalt  }
0x56: {  	_ =	shalt  }
0x57: {  	_ =	shalt  }
0x58: {  	_ =	shalt  }
0x59: {  	_ =	shalt  }
0x5a: {  	_ =	shalt  }
0x5b: {  	_ =	shalt  }
0x5c: {  	_ =	shalt  }
0x5d: {  	_ =	shalt  }
0x5e: {  	_ =	shalt  }
0x5f: {  	_ =	shalt  }
0x60: {  	_ =	shalt  }
0x61: {  	_ =	shalt  }
0x62: {  	_ =	shalt  }
0x63: {  	_ =	shalt  }
0x64: {  	_ =	shalt  }
0x65: {  	_ =	shalt  }
0x66: {  	_ =	shalt  }
0x67: {  	_ =	shalt  }
0x68: {  	_ =	shalt  }
0x69: {  	_ =	shalt  }
0x6a: {  	_ =	shalt  }
0x6b: {  	_ =	shalt  }
0x6c: {  	_ =	shalt  }
0x6d: {  	_ =	shalt  }
0x6e: {  	_ =	shalt  }
0x6f: {  	_ =	shalt  }
0x70: {  	_ =	shalt  }
0x71: {  	_ =	shalt  }
0x72: {  	_ =	shalt  }
0x73: {  	_ =	shalt  }
0x74: {  	_ =	shalt  }
0x75: {  	_ =	shalt  }
0x76: {  	_ =	shalt  }
0x77: {  	_ =	shalt  }
0x78: {  	_ =	shalt  }
0x79: {  	_ =	shalt  }
0x7a: {  	_ =	shalt  }
0x7b: {  	_ =	shalt  }
0x7c: {  	_ =	shalt  }
0x7d: {  	_ =	shalt  }
0x7e: {  	_ =	shalt  }
0x7f: {  	_ =	shalt  }
0x80: {  	_ =	shalt  }
0x81: {  	_ =	shalt  }
0x82: {  	_ =	shalt  }
0x83: {  	_ =	shalt  }
0x84: {  	_ =	shalt  }
0x85: {  	_ =	shalt  }
0x86: {  	_ =	shalt  }
0x87: {  	_ =	shalt  }
.Lfunc_end0:
.L_simem_size_0:
called_computation_lowered:
.L_overlay_start_0:
0x88: {  	s2 =	sld [smem:$0x3FD9]  }
0x89: {  	s3 =	sld [smem:$0x3FFE];
	_ =	sdelay $0x1  }
0x8a: {  	s1 =	srdreg.scid  }
0x8b: {  	s0 =	sand.u32 $0x1, s1  }
0x8c: {  	s17 =	sshll.u32 s0, $0xA;
	s2 =	sadd.s32 s3, s2  }
0x8d: {  	s2 =	sadd.s32 s2, s17  }
0x8e: {  	[smem:$0x3FC4] =	sst s2  }
0x8f: {  	_ = 	snop  }
0x90: {  	s2 =	sld [smem:$0x3FC9]  }
0x91: {  	s18 =	sld [smem:$0x3FC8]  }
0x92: {  	s4 =	sld [smem:$0x3FC7]  }
0x93: {  	s5 =	sld [smem:$0x3FC6];
	(tm) =	ssettm $0x1  }
0x94: {  	s6 =	sld [smem:$0x3FFB];
	_ =	sdelay $0x3  }
0x95: {  	_ =	strace s6  }
0x96: {  	s6 =	sld [smem:$0x3FFC];
	_ =	sdelay $0x3  }
0x97: {  	_ =	strace s6  }
0x98: {  	s6 =	sld [smem:$0x3FFD];
	_ =	sdelay $0x3  }
0x99: {  	_ =	strace s6  }
0x9a: {  	_ =	strace $0x8FFFFFFF  }
0x9b: {  	s19 =	sld [smem:$0x3FDB];
	_ =	sdelay $0x1  }
0x9c: {  	s7 =	simm.s32 $_scs_section_size  }
0x9d: {  	s8 =	simm.s32 $_size__tile_overlayer_lowered;
	s9 =	simm.s32 $_tile_overlayer_lowered  }
0x9e: {  	s22 =	simm.s32 $0x1BFF;
	s21 =	sshll.u32 s9, $0x1;
	s6 =	sadd.s32 s7, s19  }
0x9f: {  	s10 =	simm.s32 $0x0;
	s20 =	sshll.u32 s8, $0x1;
	s8 =	sadd.s32 s21, s6  }
0xa0: {  	[timem:s10], [sflag:s22] =	dma.local [hbm:s8], s20  }
0xa1: {  	_ =	swait.ge [sflag:s22], s20  }
0xa2: {  	s7 =	ssub.s32 $0x0, s20;
	[sflag:s22] =	ssyncset.done $0x0  }
0xa3: {  	[sflag:s22] =	ssyncadd.s32 s7;
	_ =	sdelay $0x1  }
0xa4: {  	s23 =	simm.s32 $0x1B8B  }
0xa5: {  	_ =	swait.ge [sflag:s23], $0x1  }
0xa6: {  	[sflag:s23] =	ssyncset.done $0x0  }
0xa7: {  	s25 =	simm.s32 $0x1B8E;
	s24 =	sld [smem:$0x3FFE];
	[sflag:s23] =	ssyncadd.s32 $0xFFFFFFFF  }
0xa8: {  	s26 =	simm.s32 $execute0_lowered;
	[smem:$0x3FD2] =	sst s25  }
0xa9: {  	s8 =	sshll.u32 s26, $0x1;
	_ =	strace $0x80000046;
	[dreg:$0x1] =	wrdreg $0xFFFFFFFF  }
0xaa: {  	s28 =	simm.s32 $_size_execute0_lowered;
	s6 =	sadd.s32 s6, s8;
	[dreg:$0x0] =	wrdreg $0x0  }
0xab: {  	s8 =	sshll.u32 s28, $0x1;
	[dreg:$0x2] =	wrdreg s6  }
0xac: {  	[dreg:$0x3] =	wrdreg s8  }
0xad: {  	[dreg:$0x4] =	wrdreg $0xC0  }
0xae: {  	_ =	task [dreg:s10], $0x5FFFF  }
0xaf: {  	[dreg:$0x1] =	wrdreg $0xFFFFFFFF  }
0xb0: {  	[dreg:$0x0] =	wrdreg $0x60  }
0xb1: {  	[dreg:$0x2] =	wrdreg s2  }
0xb2: {  	[dreg:$0x3] =	wrdreg s18  }
0xb3: {  	[dreg:$0x4] =	wrdreg s4  }
0xb4: {  	[dreg:$0x5] =	wrdreg s5  }
0xb5: {  	[dreg:$0x6] =	wrdreg s24  }
0xb6: {  	[dreg:$0x7] =	wrdreg $0x9  }
0xb7: {  	_ =	task.clear_ibuf [dreg:s10], $0x8FFFF;
	_ =	strace $0x90000046  }
0xb8: {  	s29 =	simm.s32 $0x9;
	_ =	strace $0x80000048  }
0xb9: {  	_ =	swait.ge [sflag:s29], $0x1  }
0xba: {  	[sflag:s29] =	ssyncadd.s32 $0xFFFFFFFF  }
0xbb: {  	_ =	strace $0x90000048  }
0xbc: {  	_ =	sfence  }
0xbd: {  	s30 =	sld [smem:$0x0];
	_ =	sdelay $0x2  }
0xbe: {  	s31 =	sshll.u32 s1, $0xD;
	s1 =	sshrl.u32 s1, $0x2  }
0xbf: {  	s3 =	sand.u32 $0x4000, s31;
	s1 =	sadd.s32 s1, s30  }
0xc0: {  	s0 =	sor.u32 s3, s0;
	s1 =	sshll.u32 s1, $0x11  }
0xc1: {  	s0 =	sor.u32 s1, s0  }
0xc2: {  	s0 =	sadd.s32 $0x8F2B, s0  }
0xc3: {  	[sflag:s0] =	ssyncadd.remote.s32 $0x1  }
0xc4: {  	_ =	sfence.sel $0xFFFF  }
0xc5: {  	[dreg:$0x0] =	wrdreg $0xFFFFFFFF;
	(pc) =	sbr.abs _section_cstart, $3  }
0xc6: {  	[dreg:$0x1] =	wrdreg $0xFFFFFFFF  }
0xc7: {  	_ =	task.clear_ibuf [dreg:s10], $0x2FFFF;
	_ =	strace $0x9FFFFFFF  }
0xc8: {  	(tm) =	ssettm $0x7FFFFFFF  }
0xc9: {  	_ =	shalt  }
tec
execute0_lowered:
.L_overlay_start_1:
0x0: {  	(tag) =	ssettag $0x1  }
0x1: {  	s1 =	srdreg.scid;
	s2 =	stileid.u32  }
0x2: {  	s0 =	rddreg [dreg:$0x0];
	s1 =	sand.u32 $0x1, s1;
	s2 =	sshll.u32 s2, $0x1  }
0x3: {  	s7 =	rddreg [dreg:$0x1];
	s8 =	simm.s32 $0x0;
	s2 =	sor.u32 s1, s2  }
0x4: {  	[smem:$0x7FF] =	sst s8;
	s1 =	ssub.s32 $0x2, s1;
	s2 =	smul.u32 $0x1E0, s2  }
0x5: {  	s3 =	rddreg [dreg:$0x4];
	_ =	strace $0x80000047;
	s6 =	sshrl.u32 s1, $0x1  }
0x6: {  	s1 =	ssub.s32 s1, s6;
	s4 =	sshrl.u32 s2, $0x3;
	s28 =	sadd.s32 $0x60, s2  }
0x7: {  	s29 =	sadd.s32 $0x90, s2;
	s31 =	smax.u32 s1, $0x1;
	[smem:$0x7FA] =	sst s28  }
0x8: {  	s5 =	smul.u32 $0x300, s4;
	s3 =	sadd.s32 s4, s3;
	[smem:$0x7FB] =	sst s29  }
.Ltmp0:
0x9: {  	vm0 =	vmmov $0x1;
	vm15 =	vmmov $0x7fff;
	vm1 =	vmmov $0x3;
	s0 =	sadd.s32 s0, s4;
	[smem:$0x7FD] =	sst s31;
	(pc) =	sbr.rel .LBB2_1-.Ltmp0, $4  }
0xa: {  	vm2 =	vmmov $0x7;
	vm3 =	vmmov $0xf;
	vm4 =	vmmov $0x1f;
	[smem:$0x7F7] =	sst s0;
	s30 =	sadd.s32 $0xA00, s3  }
0xb: {  	vm5 =	vmmov $0x3f;
	vm6 =	vmmov $0x7f;
	vm7 =	vmmov $0xff;
	s5 =	sadd.s32 s7, s5;
	[smem:$0x7FC] =	sst s30  }
0xc: {  	s14 =	simm.s32 $0x1800;
	vm8 =	vmmov $0x1ff;
	vm9 =	vmmov $0x3ff;
	vm10 =	vmmov $0x7ff;
	[smem:$0x7F8] =	sst s5;
	s26 =	sadd.s32 $0x1200, s5  }
0xd: {  	vm11 =	vmmov $0xfff;
	vm12 =	vmmov $0x1fff;
	vm13 =	vmmov $0x3fff;
	s1 =	simm.s32 $0x3;
	s2 =	simm.s32 $0x0;
	[smem:$0x7F9] =	sst s26  }
.LBB2_12:
0xe: {  	s0 =	sld [smem:$0x7FC];
	_ =	sdelay $0x1  }
0xf: {  	s8 =	simm.s32 $0x0;
	s1 =	simm.s32 $0x1A80  }
0x10: {  	[hbm4b:s0+s8] =	stream.linear.scatter [tilespmem:s1], [sflag:$0x3], $0x1E0, $0x38;
	[tilespmem:$0x13C80] =	vst v63  }
0x11: {  	s1 =	simm.s32 $0x3  }
0x12: {  	_ =	swait.ge [sflag:s1], $0x1E0  }
0x13: {  	s2 =	sld [smem:$0x7F6]  }
0x14: {  	s31 =	sld [smem:$0x7FD];
	_ =	sdelay $0x1  }
0x15: {  	s2 =	sadd.s32 $0x1, s2  }
0x16: {  	p0 =	sne.s32 s2, s31  }
.Ltmp1:
0x17: {  	_ = 	snop;
	(pc) =	sbr.rel @!p0 .LBB2_13-.Ltmp1, $3  }
0x18: {  	_ =	sdelay $0x1  }
0x19: {  	[sflag:s1] =	ssyncset.done $0x0  }
0x1a: {  	[sflag:s1] =	ssyncadd.s32 $0xFFFFFE20  }
.LBB2_1:
0x1b: {  	[smem:$0x7F6] =	sst s2  }
0x1c: {  	s0 =	rddreg [dreg:$0x2]  }
0x1d: {  	[tilespmem:s8], [sflag:$0x3] =	stream.linear.gather [hbm4b:s0+s8], $0x1800, $0x38;
	[tilespmem:$0x13C80] =	vst v63  }
0x1e: {  	_ =	swait.ge [sflag:s1], $0x1800  }
0x1f: {  	[sflag:s1] =	ssyncset.done $0x0  }
0x20: {  	[sflag:s1] =	ssyncadd.s32 $0xFFFFE800  }
0x21: {  	s24 =	rddreg [dreg:$0x3]  }
0x22: {  	[tilespmem:s14], [sflag:$0x3] =	stream.linear.gather [hbm4b:s24+s8], $0x8, $0x38;
	[tilespmem:$0x13C80] =	vst v63  }
0x23: {  	_ =	swait.ge [sflag:s1], $0x8  }
0x24: {  	s25 =	sld [smem:$0x7F7]  }
0x25: {  	[sflag:s1] =	ssyncset.done $0x0  }
0x26: {  	s26 =	simm.s32 $0x1880;
	[sflag:s1] =	ssyncadd.s32 $0xFFFFFFF8  }
0x27: {  	[tilespmem:s26], [sflag:$0x3] =	stream.linear.gather [hbm4b:s25+s8], $0x1E0, $0x38;
	[tilespmem:$0x13C80] =	vst v63  }
0x28: {  	_ =	swait.ge [sflag:s1], $0x1E0  }
0x29: {  	s28 =	sld [smem:$0x7F8]  }
0x2a: {  	[sflag:s1] =	ssyncset.done $0x0  }
0x2b: {  	s29 =	simm.s32 $0x1C80;
	s30 =	sld [smem:$0x7F9];
	[sflag:s1] =	ssyncadd.s32 $0xFFFFFE20  }
0x2c: {  	[tilespmem:s29], [sflag:$0x1] =	stream.linear.gather [hbm4b:s28+s8], $0x9000, $0x38;
	[tilespmem:$0x13C80] =	vst v63  }
0x2d: {  	s31 =	simm.s32 $0xAC80;
	s22 =	simm.s32 $0x0  }
0x2e: {  	[tilespmem:s31], [sflag:$0x2] =	stream.linear.gather [hbm4b:s30+s8], $0x9000, $0x38;
	[tilespmem:$0x13C80] =	vst v63  }
.LBB2_2:
0x2f: {  	s0 =	simm.s32 $0x1  }
0x30: {  	s23 =	smul.u32 $0x60, s22;
	_ =	swait.ge [sflag:s0], $0x9000  }
0x31: {  	[sflag:s0] =	ssyncset.done $0x0  }
0x32: {  	s24 =	simm.s32 $0x0;
	s25 =	simm.s32 $0x0;
	v0 =	vmov s23;
	[sflag:s0] =	ssyncadd.s32 $0xFFFF7000  }
.LBB2_3:
0x33: {  	_ =	sdelay $0x2  }
0x34: {  	s26 =	sshll.u32 s25, $0x4  }
0x35: {  	v1 =	vld.idx.msk [tilespmem:v0+s26+$0x1880 ss:$0x1], $0xffff;
	_ =	sdelay $0x4  }
0x36: {  	vm14 =	vcmask $0x308;
	v2 =	vnsel vm0, $0x0, v1  }
0x37: {  	v3 =	vsel vm14, $0x0, v1;
	vm14 =	vcmask $0x70C;
	v2 =	vxor.u32 $0x80000000, v2  }
0x38: {  	(xrf0) =	vmax.scan.msk.u32 $0xffff, v2;
	v2 =	vxor.u32 $0x80000000, v3;
	v3 =	vsel vm14, $0x0, v1  }
0x39: {  	vm14 =	vcmask $0xB10;
	(xrf0) =	vmax.scan.msk.u32 $0xffff, v2;
	v2 =	vxor.u32 $0x80000000, v3  }
0x3a: {  	v3 =	vsel vm14, $0x0, v1;
	vm14 =	vcmask $0xF14;
	(xrf0) =	vmax.scan.msk.u32 $0xffff, v2  }
0x3b: {  	v2 =	vxor.u32 $0x80000000, v3;
	v3 =	vsel vm14, $0x0, v1;
	vm14 =	vcmask $0x1318  }
0x3c: {  	(xrf0) =	vmax.scan.msk.u32 $0xffff, v2;
	v2 =	vxor.u32 $0x80000000, v3;
	v3 =	vsel vm14, $0x0, v1  }
0x3d: {  	vm14 =	vcmask $0x171C;
	(xrf0) =	vmax.scan.msk.u32 $0xffff, v2;
	v2 =	vxor.u32 $0x80000000, v3  }
0x3e: {  	v3 =	vsel vm14, $0x0, v1;
	vm14 =	vcmask $0x1B20;
	(xrf0) =	vmax.scan.msk.u32 $0xffff, v2;
	v4, _, _ =	vpop (xrf0)  }
0x3f: {  	v2 =	vxor.u32 $0x80000000, v3;
	v3 =	vsel vm14, $0x0, v1;
	(v2sf) =	vpush v4, $0xF;
	v4, _, _ =	vpop (xrf0)  }
0x40: {  	vm14 =	vcmask $0x1F24;
	(xrf0) =	vmax.scan.msk.u32 $0xffff, v2;
	v2 =	vxor.u32 $0x80000000, v3;
	(v2sf) =	vpush v4, $0xF;
	v4, _, _ =	vpop (xrf0)  }
0x41: {  	v3 =	vsel vm14, $0x0, v1;
	vm14 =	vcmask $0x2328;
	(v2sf) =	vpush v4, $0xF  }
0x42: {  	(xrf0) =	vmax.scan.msk.u32 $0xffff, v2;
	v2 =	vxor.u32 $0x80000000, v3;
	v3 =	vsel vm14, $0x0, v1;
	vm14 =	vcmask $0x272C;
	v4, _, _ =	vpop (xrf0)  }
0x43: {  	(xrf0) =	vmax.scan.msk.u32 $0xffff, v2;
	v2 =	vxor.u32 $0x80000000, v3;
	v3 =	vsel vm14, $0x0, v1;
	(v2sf) =	vpush v4, $0xF;
	v4, _, _ =	vpop (xrf0)  }
0x44: {  	vm14 =	vcmask $0x2B30;
	(xrf0) =	vmax.scan.msk.u32 $0xffff, v2;
	v2 =	vxor.u32 $0x80000000, v3;
	(v2sf) =	vpush v4, $0xF;
	v4, _, _ =	vpop (xrf0)  }
0x45: {  	v3 =	vsel vm14, $0x0, v1;
	vm14 =	vcmask $0x2F34;
	(v2sf) =	vpush v4, $0xF  }
0x46: {  	(xrf0) =	vmax.scan.msk.u32 $0xffff, v2;
	v2 =	vxor.u32 $0x80000000, v3;
	v3 =	vsel vm14, $0x0, v1;
	vm14 =	vcmask $0x3338;
	v4, _, _ =	vpop (xrf0)  }
0x47: {  	(xrf0) =	vmax.scan.msk.u32 $0xffff, v2;
	v2 =	vxor.u32 $0x80000000, v3;
	v3 =	vsel vm14, $0x0, v1;
	(v2sf) =	vpush v4, $0xF;
	_ =	sdelay $0x2  }
0x48: {  	s8 =	smul.u32 $0xC000, s25;
	(xrf0) =	vmax.scan.msk.u32 $0xffff, v2;
	v2 =	vxor.u32 $0x80000000, v3;
	v3, _, _ =	vpop (xrf0)  }
0x49: {  	(v2sf) =	vpush v3, $0xF  }
0x4a: {  	s8 =	sshra.s32 s8, $0x2  }
0x4b: {  	s17 =	sadd.s32 $0x1C80, s8;
	(xrf0) =	vmax.scan.msk.u32 $0xffff, v2;
	v2, _, _ =	vpop (xrf0)  }
0x4c: {  	s8 =	sadd.s32 $0x3480, s8;
	[dreg:$0x6] =	wrdreg s17;
	(v2sf) =	vpush v2, $0xF;
	s6 =	spop (v2sf)  }
0x4d: {  	[dreg:$0xf] =	wrdreg s8;
	v3, _, _ =	vpop (xrf0);
	s10 =	spop (v2sf);
	s16 =	sshrl.u32 s6, $0x3  }
0x4e: {  	(v2sf) =	vpush v3, $0xF;
	s6 =	sshll.u32 s6, $0x7;
	s11 =	spop (v2sf);
	s16 =	smul.u32 $0x6000, s16  }
0x4f: {  	v2, _, _ =	vpop (xrf0);
	s18 =	sshrl.u32 s10, $0x3;
	s6 =	sand.u32 $0x380, s6;
	s10 =	sshll.u32 s10, $0x7  }
0x50: {  	(v2sf) =	vpush v2, $0xF;
	s12 =	spop (v2sf);
	s18 =	smul.u32 $0x6000, s18;
	s10 =	sand.u32 $0x380, s10  }
0x51: {  	s21 =	sshrl.u32 s11, $0x3;
	s17 =	sshll.u32 s11, $0x7;
	s13 =	spop (v2sf)  }
0x52: {  	v3, _, _ =	vpop (xrf0);
	s16 =	sshra.s32 s16, $0x2;
	s19 =	sshll.u32 s12, $0x7;
	s15 =	spop (v2sf)  }
0x53: {  	(v2sf) =	vpush v3, $0xF;
	s6 =	sor.u32 s6, s16;
	s20 =	sshra.s32 s18, $0x2;
	s16 =	smul.u32 $0x6000, s21  }
0x54: {  	s18 =	sshrl.u32 s12, $0x3;
	s9 =	spop (v2sf);
	[dreg:$0x7] =	wrdreg s6  }
0x55: {  	v2, _, _ =	vpop (xrf0);
	s10 =	sor.u32 s10, s20;
	s6 =	sand.u32 $0x380, s17;
	s11 =	smul.u32 $0x6000, s18  }
0x56: {  	vm14 =	vcmask $0x373C;
	(v2sf) =	vpush v2, $0xF;
	v2, _, _ =	vpop (xrf0);
	s20 =	sshrl.u32 s13, $0x3;
	s18 =	sshll.u32 s15, $0x7;
	[dreg:$0x8] =	wrdreg s10  }
0x57: {  	(v2sf) =	vpush v2, $0xF;
	v2 =	vsel vm14, $0x0, v1;
	s10 =	sshra.s32 s16, $0x2;
	s12 =	smul.u32 $0x6000, s20;
	s16 =	sshrl.u32 s15, $0x3  }
0x58: {  	v2 =	vxor.u32 $0x80000000, v2;
	s30 =	rddreg [dreg:$0x7];
	s7 =	spop (v2sf);
	s6 =	sor.u32 s6, s10  }
0x59: {  	(xrf0) =	vmax.scan.msk.u32 $0xffff, v2;
	s10 =	sand.u32 $0x380, s19;
	s11 =	sshra.s32 s11, $0x2;
	s17 =	smul.u32 $0x6000, s16  }
0x5a: {  	s19 =	sshrl.u32 s9, $0x3;
	s9 =	sshll.u32 s9, $0x7;
	s29 =	rddreg [dreg:$0x8]  }
0x5b: {  	s5 =	spop (v2sf);
	[dreg:$0x9] =	wrdreg s6;
	s21 =	sor.u32 s10, s11  }
0x5c: {  	s11 =	sshll.u32 s13, $0x7;
	s13 =	sshra.s32 s12, $0x2;
	s20 =	smul.u32 $0x6000, s19  }
0x5d: {  	s9 =	sand.u32 $0x380, s9;
	s4 =	spop (v2sf);
	s10 =	sand.u32 $0x380, s11  }
0x5e: {  	[dreg:$0xa] =	wrdreg s21;
	s11 =	sshra.s32 s17, $0x2;
	s21 =	sshrl.u32 s7, $0x3  }
0x5f: {  	v2, _, _ =	vpop (xrf0);
	s7 =	sshll.u32 s7, $0x7;
	s31 =	rddreg [dreg:$0x9];
	s3 =	spop (v2sf)  }
0x60: {  	(v2sf) =	vpush v2, $0xF;
	s10 =	sor.u32 s10, s13;
	s12 =	smul.u32 $0x6000, s21;
	s7 =	sand.u32 $0x380, s7  }
0x61: {  	s13 =	sshrl.u32 s5, $0x3;
	s5 =	sshll.u32 s5, $0x7;
	s16 =	sshrl.u32 s4, $0x3  }
0x62: {  	s4 =	sshll.u32 s4, $0x7;
	s2 =	spop (v2sf);
	[dreg:$0xb] =	wrdreg s10  }
0x63: {  	s10 =	sand.u32 $0x380, s18;
	s15 =	smul.u32 $0x6000, s13;
	s5 =	sand.u32 $0x380, s5  }
0x64: {  	s4 =	sand.u32 $0x380, s4;
	s18 =	sshrl.u32 s3, $0x3;
	s3 =	sshll.u32 s3, $0x7  }
0x65: {  	s1 =	spop (v2sf);
	s10 =	sor.u32 s10, s11;
	s11 =	sshra.s32 s20, $0x2  }
0x66: {  	v2 =	vsel vm15, $0x0, v1;
	[dreg:$0xc] =	wrdreg s10;
	s9 =	sor.u32 s9, s11;
	s10 =	sshra.s32 s12, $0x2  }
0x67: {  	v2 =	vxor.u32 $0x80000000, v2;
	s19 =	smul.u32 $0x6000, s18;
	[dreg:$0xd] =	wrdreg s9;
	s7 =	sor.u32 s7, s10  }
0x68: {  	(xrf0) =	vmax.scan.msk.u32 $0xffff, v2;
	s9 =	smul.u32 $0x6000, s16;
	[dreg:$0xe] =	wrdreg s7;
	s7 =	sshra.s32 s15, $0x2  }
0x69: {  	s20 =	sshrl.u32 s2, $0x3;
	s3 =	sand.u32 $0x380, s3;
	s5 =	sor.u32 s5, s7  }
0x6a: {  	s2 =	sshll.u32 s2, $0x7;
	s17 =	sshra.s32 s9, $0x2;
	[dreg:$0x10] =	wrdreg s5  }
0x6b: {  	s0 =	spop (v2sf);
	s4 =	sor.u32 s4, s17;
	s17 =	rddreg [dreg:$0x6]  }
0x6c: {  	s21 =	sshrl.u32 s1, $0x3;
	s5 =	sshra.s32 s19, $0x2;
	s19 =	rddreg [dreg:$0x7]  }
0x6d: {  	s2 =	sand.u32 $0x380, s2;
	[dreg:$0x11] =	wrdreg s4;
	s4 =	smul.u32 $0x6000, s20  }
0x6e: {  	v2, _, _ =	vpop (xrf0);
	s3 =	sor.u32 s3, s5;
	s5 =	smul.u32 $0x6000, s21;
	s20 =	rddreg [dreg:$0x8]  }
0x6f: {  	s1 =	sshll.u32 s1, $0x7;
	s21 =	rddreg [dreg:$0x9];
	s6 =	spop (v2sf);
	(v2sf) =	vpush v2, $0xF  }
0x70: {  	s1 =	sand.u32 $0x380, s1;
	[dreg:$0x12] =	wrdreg s3;
	s4 =	sshra.s32 s4, $0x2  }
0x71: {  	s2 =	sor.u32 s2, s4;
	s4 =	sshra.s32 s5, $0x2;
	s5 =	sshrl.u32 s0, $0x3  }
0x72: {  	s0 =	sshll.u32 s0, $0x7;
	[dreg:$0x13] =	wrdreg s2;
	s7 =	smul.u32 $0x6000, s5  }
0x73: {  	s1 =	sor.u32 s1, s4;
	s0 =	sand.u32 $0x380, s0;
	s10 =	sshrl.u32 s6, $0x3  }
0x74: {  	[dreg:$0x14] =	wrdreg s1;
	s9 =	sshra.s32 s7, $0x2;
	s11 =	smul.u32 $0x6000, s10  }
0x75: {  	s13 =	sshll.u32 s6, $0x7;
	s6 =	sand.u32 $0x1C00, s24;
	s0 =	sor.u32 s0, s9  }
0x76: {  	[dreg:$0x15] =	wrdreg s0;
	s0 =	sand.u32 $0x380, s13;
	s1 =	sshra.s32 s11, $0x2  }
0x77: {  	s4 =	sadd.s32 s6, s20;
	s0 =	sor.u32 s0, s1;
	s1 =	sand.u32 $0x70, s24  }
0x78: {  	[dreg:$0x16] =	wrdreg s0;
	s0 =	sadd.s32 s6, s17;
	s4 =	sadd.s32 s1, s4  }
0x79: {  	s10 =	rddreg [dreg:$0x11];
	s28 =	sadd.s32 s1, s0;
	v9 =	vld [tilespmem:s4+$0x0]  }
0x7a: {  	s5 =	sadd.s32 s6, s21;
	s21 =	rddreg [dreg:$0x14];
	v2 =	vld [tilespmem:s28+$0x1B80]  }
0x7b: {  	s9 =	rddreg [dreg:$0xb];
	v4 =	vld [tilespmem:s28+$0x0]  }
0x7c: {  	s11 =	rddreg [dreg:$0xc];
	v5 =	vld [tilespmem:s28+$0x80]  }
0x7d: {  	s13 =	rddreg [dreg:$0xe];
	v6 =	vld [tilespmem:s28+$0x100]  }
0x7e: {  	s20 =	sadd.s32 s6, s9;
	s9 =	rddreg [dreg:$0x15];
	v7 =	vld [tilespmem:s28+$0x180];
	s8 =	spop (v2sf)  }
0x7f: {  	s17 =	rddreg [dreg:$0x12];
	v12 =	vld [tilespmem:s28+$0x200];
	s12 =	sshrl.u32 s8, $0x3  }
0x80: {  	v16 =	vld [tilespmem:s28+$0x280];
	s3 =	sshll.u32 s8, $0x7;
	s8 =	rddreg [dreg:$0xa];
	s2 =	smul.u32 $0x6000, s12  }
0x81: {  	v18 =	vld [tilespmem:s28+$0x300];
	s15 =	sand.u32 $0x380, s3;
	s12 =	rddreg [dreg:$0xd];
	s3 =	sadd.s32 s6, s19  }
0x82: {  	v20 =	vld [tilespmem:s28+$0x380];
	s19 =	rddreg [dreg:$0x13];
	s3 =	sadd.s32 s1, s3;
	s2 =	sshra.s32 s2, $0x2  }
0x83: {  	v8 =	vld [tilespmem:s3+$0x0];
	s3 =	sadd.s32 s6, s12;
	s16 =	sor.u32 s15, s2;
	s15 =	rddreg [dreg:$0xf]  }
0x84: {  	v24 =	vld [tilespmem:s28+$0x1880];
	s4 =	sadd.s32 s1, s3;
	s3 =	rddreg [dreg:$0xb]  }
0x85: {  	v25 =	vld [tilespmem:s28+$0x1900];
	s2 =	sadd.s32 s6, s8;
	[dreg:$0x17] =	wrdreg s16  }
0x86: {  	s16 =	sadd.s32 s1, s5;
	s2 =	sadd.s32 s1, s2;
	v19 =	vld [tilespmem:s4+$0x0];
	s4 =	rddreg [dreg:$0xd]  }
0x87: {  	s8 =	sadd.s32 s6, s15;
	s15 =	sadd.s32 s6, s10;
	s18 =	rddreg [dreg:$0x17];
	v10 =	vld [tilespmem:s16+$0x0]  }
0x88: {  	s5 =	sadd.s32 s6, s17;
	v11 =	vld [tilespmem:s2+$0x0];
	s12 =	sadd.s32 s1, s8;
	s7 =	sadd.s32 s6, s18  }
0x89: {  	s10 =	sadd.s32 s6, s21;
	s21 =	rddreg [dreg:$0x14];
	v22 =	vld [tilespmem:s12+$0x0];
	s0 =	sadd.s32 s1, s7  }
0x8a: {  	s5 =	sadd.s32 s1, s5;
	s18 =	rddreg [dreg:$0x10];
	v3 =	vld [tilespmem:s0+$0x0]  }
0x8b: {  	v26 =	vld [tilespmem:s5+$0x0];
	s7 =	sadd.s32 s1, s20;
	s0 =	sadd.s32 s6, s11;
	s11 =	sadd.s32 s6, s18  }
0x8c: {  	s8 =	rddreg [dreg:$0x11];
	v13 =	vld [tilespmem:s7+$0x0];
	s7 =	sadd.s32 s6, s13;
	s13 =	sadd.s32 s1, s11  }
0x8d: {  	s12 =	rddreg [dreg:$0x12];
	s0 =	sadd.s32 s1, s0;
	v23 =	vld [tilespmem:s13+$0x0]  }
0x8e: {  	v5 =	vmul.f32 v9, v5;
	s20 =	rddreg [dreg:$0x16];
	v4 =	vmul.f32 v8, v4;
	s2 =	sadd.s32 s1, s7;
	v17 =	vld [tilespmem:s0+$0x0]  }
0x8f: {  	s19 =	sadd.s32 s6, s19;
	s18 =	sadd.s32 s1, s15;
	s15 =	rddreg [dreg:$0xe];
	v21 =	vld [tilespmem:s2+$0x0];
	v6 =	vmul.f32 v10, v6;
	v2 =	vmul.f32 v3, v2;
	v3 =	vimm.f32 $0.0e+00  }
0x90: {  	s16 =	sadd.s32 s6, s9;
	s9 =	sadd.s32 s6, s20;
	s6 =	rddreg [dreg:$0x15];
	v9 =	vld [tilespmem:s18+$0x0];
	v14 =	vadd.f32 v4, v3;
	v4 =	vmul.f32 v11, v7  }
0x91: {  	s7 =	rddreg [dreg:$0xf];
	v15 =	vadd.f32 v5, v3;
	v10 =	vadd.f32 v6, v3;
	v5 =	vmul.f32 v13, v12  }
0x92: {  	v1 =	vld.idx.msk [tilespmem:v1+s14+$0x0], $0xffff;
	s11 =	rddreg [dreg:$0x10];
	v6 =	vmul.f32 v19, v18;
	v2 =	vadd.f32 v2, v3;
	v7 =	vmul.f32 v23, v22  }
0x93: {  	s18 =	rddreg [dreg:$0x6];
	v19 =	vld [tilespmem:s28+$0x1980];
	v23 =	vmul.f32 v26, v25;
	v11 =	vadd.f32 v4, v3;
	v4 =	vmul.f32 v17, v16  }
0x94: {  	s26 =	sadd.s32 s23, s26;
	s20 =	sadd.s32 s1, s10;
	s0 =	rddreg [dreg:$0xa];
	v18 =	vld [tilespmem:s28+$0x1A80];
	v12 =	vadd.f32 v5, v3;
	v5 =	vmul.f32 v21, v20;
	v8 =	vadd.f32 v6, v3  }
0x95: {  	s17 =	sadd.s32 s1, s19;
	s5 =	simm.s32 $0x10;
	s2 =	rddreg [dreg:$0xc];
	v22 =	vld [tilespmem:s20+$0x0];
	v16 =	vimm.f32 $0.0e+00;
	v13 =	vadd.f32 v4, v3;
	v4 =	vmul.f32 v9, v24  }
0x96: {  	s10 =	sadd.s32 s1, s16;
	s16 =	simm.s32 $0x20;
	s13 =	rddreg [dreg:$0x13];
	v21 =	vld [tilespmem:s17+$0x0];
	v17 =	vimm.f32 $0.0e+00;
	v7 =	vadd.f32 v7, v3;
	v9 =	vadd.f32 v5, v3  }
0x97: {  	s1 =	sadd.s32 s1, s9;
	s20 =	simm.s32 $0x80;
	v20 =	vld [tilespmem:s28+$0x1A00];
	s17 =	rddreg [dreg:$0x17];
	v5 =	vimm.f32 $0.0e+00;
	v6 =	vadd.f32 v4, v3;
	v4 =	vimm.f32 $0.0e+00  }
.LBB2_4:
0x98: {  	s9 =	sand.u32 $0x1C00, s20  }
0x99: {  	s5 =	sand.u32 $0x70, s5;
	v3 =	vadd.f32 v23, v3;
	v23 =	vld [tilespmem:s1+$0x0];
	s1 =	sadd.s32 s9, s31  }
0x9a: {  	v24 =	vld [tilespmem:s10+$0x0];
	s2 =	sadd.s32 s9, s2;
	s1 =	sadd.s32 s5, s1  }
0x9b: {  	s11 =	sadd.s32 s9, s11;
	s2 =	sadd.s32 s5, s2;
	v59 =	vld [tilespmem:s1+$0x0]  }
0x9c: {  	s11 =	sadd.s32 s5, s11;
	v60 =	vld [tilespmem:s2+$0x0]  }
0x9d: {  	s10 =	sadd.s32 s9, s18;
	v61 =	vld [tilespmem:s11+$0x0]  }
0x9e: {  	s17 =	sadd.s32 s9, s17;
	v19 =	vmul.f32 v21, v19;
	v21 =	vld [tilespmem:s28+$0x1B00];
	s28 =	sadd.s32 s5, s10  }
0x9f: {  	s17 =	sadd.s32 s5, s17;
	v25 =	vld [tilespmem:s28+$0x1B80]  }
0xa0: {  	v16 =	vadd.f32 v19, v16;
	v19 =	vmul.f32 v22, v20;
	v20 =	vld [tilespmem:s17+$0x0]  }
0xa1: {  	v18 =	vmul.f32 v24, v18;
	v58 =	vld [tilespmem:s28+$0x100]  }
0xa2: {  	s18 =	sadd.s32 s9, s30;
	v22 =	vld [tilespmem:s28+$0x0]  }
0xa3: {  	s10 =	sadd.s32 s9, s29;
	s17 =	sadd.s32 s9, s13;
	s13 =	sadd.s32 s5, s18;
	v5 =	vadd.f32 v18, v5;
	v17 =	vadd.f32 v19, v17;
	v19 =	vld [tilespmem:s28+$0x80];
	v18 =	vmul.f32 v23, v21  }
0xa4: {  	s18 =	sadd.s32 s5, s10;
	v23 =	vld [tilespmem:s13+$0x0]  }
0xa5: {  	s0 =	sadd.s32 s9, s0;
	v20 =	vmul.f32 v20, v25;
	v4 =	vadd.f32 v18, v4;
	v18 =	vld [tilespmem:s18+$0x0]  }
0xa6: {  	s0 =	sadd.s32 s5, s0;
	v21 =	vld [tilespmem:s28+$0x180]  }
0xa7: {  	s3 =	sadd.s32 s9, s3;
	v2 =	vadd.f32 v20, v2;
	v20 =	vld [tilespmem:s0+$0x0]  }
0xa8: {  	s8 =	sadd.s32 s9, s8;
	s3 =	sadd.s32 s5, s3;
	v26 =	vld [tilespmem:s28+$0x200]  }
0xa9: {  	s19 =	rddreg [dreg:$0x16];
	s8 =	sadd.s32 s5, s8;
	v22 =	vmul.f32 v23, v22;
	v23 =	vld [tilespmem:s3+$0x0]  }
0xaa: {  	s30 =	rddreg [dreg:$0x7];
	v62 =	vld [tilespmem:s8+$0x0];
	v18 =	vmul.f32 v18, v19  }
0xab: {  	s4 =	sadd.s32 s9, s4;
	s31 =	rddreg [dreg:$0x9];
	v19 =	vld [tilespmem:s28+$0x280];
	v14 =	vadd.f32 v22, v14  }
0xac: {  	s4 =	sadd.s32 s5, s4;
	s2 =	rddreg [dreg:$0xc];
	v22 =	vmul.f32 v59, v58;
	v15 =	vadd.f32 v18, v15;
	v18 =	vmul.f32 v20, v21;
	v20 =	vld [tilespmem:s28+$0x300]  }
0xad: {  	s15 =	sadd.s32 s9, s15;
	s7 =	sadd.s32 s9, s7;
	s11 =	rddreg [dreg:$0x10];
	v21 =	vld [tilespmem:s4+$0x0]  }
0xae: {  	s12 =	sadd.s32 s9, s12;
	s15 =	sadd.s32 s5, s15;
	s8 =	rddreg [dreg:$0x11];
	v10 =	vadd.f32 v22, v10;
	v22 =	vld [tilespmem:s28+$0x380];
	v11 =	vadd.f32 v18, v11;
	v18 =	vmul.f32 v23, v26  }
0xaf: {  	s29 =	sadd.s32 s9, s6;
	s6 =	sadd.s32 s5, s12;
	s12 =	rddreg [dreg:$0x12];
	v23 =	vld [tilespmem:s15+$0x0]  }
0xb0: {  	s21 =	sadd.s32 s9, s21;
	s7 =	sadd.s32 s5, s7;
	v63 =	vld [tilespmem:s6+$0x0];
	s6 =	rddreg [dreg:$0x15];
	v12 =	vadd.f32 v18, v12;
	v18 =	vmul.f32 v60, v19  }
0xb1: {  	s19 =	sadd.s32 s9, s19;
	s10 =	sadd.s32 s5, s29;
	s29 =	rddreg [dreg:$0x8];
	v19 =	vld [tilespmem:s7+$0x0]  }
0xb2: {  	s9 =	sadd.s32 s5, s17;
	s17 =	sadd.s32 s5, s21;
	s21 =	rddreg [dreg:$0x14];
	v13 =	vadd.f32 v18, v13;
	v18 =	vmul.f32 v21, v20  }
0xb3: {  	s13 =	rddreg [dreg:$0x13];
	v20 =	vld [tilespmem:s28+$0x1880]  }
0xb4: {  	s18 =	rddreg [dreg:$0x6];
	v8 =	vadd.f32 v18, v8;
	v18 =	vmul.f32 v23, v22  }
0xb5: {  	p0 =	sne.s32 s16, $0x2F0;
	s0 =	rddreg [dreg:$0xa];
	v23 =	vld [tilespmem:s28+$0x1900]  }
.Ltmp2:
0xb6: {  	s3 =	rddreg [dreg:$0xb];
	v21 =	vld [tilespmem:s9+$0x0];
	v9 =	vadd.f32 v18, v9;
	v18 =	vmul.f32 v61, v19;
	(pc) =	sbr.rel @p0 .LBB2_4-.Ltmp2, $4  }
0xb7: {  	s4 =	rddreg [dreg:$0xd];
	v22 =	vld [tilespmem:s17+$0x0]  }
0xb8: {  	s15 =	rddreg [dreg:$0xe];
	v19 =	vld [tilespmem:s28+$0x1980];
	v7 =	vadd.f32 v18, v7;
	v18 =	vmul.f32 v62, v20  }
0xb9: {  	s20 =	sadd.s32 $0x80, s20;
	s1 =	sadd.s32 s5, s19;
	s7 =	rddreg [dreg:$0xf];
	v20 =	vld [tilespmem:s28+$0x1A00]  }
0xba: {  	s5 =	smov.u32 s16;
	s16 =	sadd.s32 $0x10, s16;
	s17 =	rddreg [dreg:$0x17];
	v23 =	vmul.f32 v63, v23;
	v6 =	vadd.f32 v18, v6;
	v18 =	vld [tilespmem:s28+$0x1A80]  }
0xbb: {  	s9 =	sand.u32 $0x1C00, s20;
	v24 =	vld [tilespmem:s10+$0x0]  }
0xbc: {  	s5 =	sand.u32 $0x70, s5;
	v25 =	vld [tilespmem:s28+$0x1B00];
	s20 =	sadd.s32 s9, s18  }
0xbd: {  	v26 =	vld [tilespmem:s1+$0x0];
	s10 =	sadd.s32 s5, s20  }
0xbe: {  	v27 =	vld [tilespmem:s10+$0x0]  }
0xbf: {  	v28 =	vld [tilespmem:s10+$0x80]  }
0xc0: {  	s30 =	sadd.s32 s9, s30;
	v29 =	vld [tilespmem:s10+$0x100]  }
0xc1: {  	s16 =	sadd.s32 s9, s29;
	s1 =	sadd.s32 s5, s30;
	v30 =	vld [tilespmem:s10+$0x180]  }
0xc2: {  	s31 =	sadd.s32 s9, s31;
	s16 =	sadd.s32 s5, s16;
	v31 =	vld [tilespmem:s1+$0x0]  }
0xc3: {  	s0 =	sadd.s32 s9, s0;
	s19 =	sadd.s32 s5, s31;
	v32 =	vld [tilespmem:s16+$0x0]  }
0xc4: {  	s0 =	sadd.s32 s5, s0;
	v33 =	vld [tilespmem:s19+$0x0]  }
0xc5: {  	v34 =	vld [tilespmem:s0+$0x0]  }
0xc6: {  	s29 =	sadd.s32 s9, s2;
	v35 =	vld [tilespmem:s10+$0x200]  }
0xc7: {  	s30 =	sadd.s32 s5, s29;
	v37 =	vld [tilespmem:s10+$0x280]  }
0xc8: {  	v38 =	vld [tilespmem:s30+$0x0]  }
0xc9: {  	v39 =	vld [tilespmem:s10+$0x300]  }
0xca: {  	v41 =	vld [tilespmem:s10+$0x380]  }
0xcb: {  	v45 =	vld [tilespmem:s10+$0x1880]  }
0xcc: {  	v61 =	vld [tilespmem:s10+$0x1900]  }
0xcd: {  	v49 =	vld [tilespmem:s10+$0x1A00]  }
0xce: {  	s20 =	sadd.s32 s9, s3;
	v53 =	vld [tilespmem:s10+$0x1A80]  }
0xcf: {  	s31 =	sadd.s32 s9, s4;
	s28 =	sadd.s32 s5, s20;
	v57 =	vld [tilespmem:s10+$0x1B00]  }
0xd0: {  	s3 =	sadd.s32 s9, s15;
	s2 =	sadd.s32 s5, s31;
	v36 =	vld [tilespmem:s28+$0x0]  }
0xd1: {  	s4 =	sadd.s32 s9, s7;
	s1 =	sadd.s32 s5, s3;
	v40 =	vld [tilespmem:s2+$0x0]  }
0xd2: {  	s7 =	sadd.s32 s9, s11;
	s0 =	sadd.s32 s5, s4;
	v42 =	vld [tilespmem:s1+$0x0]  }
0xd3: {  	s29 =	sadd.s32 s9, s6;
	s11 =	sadd.s32 s5, s7;
	v43 =	vld [tilespmem:s0+$0x0];
	v27 =	vmul.f32 v31, v27  }
0xd4: {  	s15 =	sadd.s32 s9, s8;
	s30 =	sadd.s32 s5, s29;
	v44 =	vld [tilespmem:s11+$0x0];
	v28 =	vmul.f32 v32, v28  }
0xd5: {  	s16 =	sadd.s32 s9, s12;
	s0 =	sadd.s32 s5, s15;
	v55 =	vld [tilespmem:s30+$0x0];
	v63 =	vmul.f32 v33, v29;
	v14 =	vadd.f32 v27, v14  }
0xd6: {  	s19 =	sadd.s32 s9, s13;
	s18 =	sadd.s32 s5, s16;
	v46 =	vld [tilespmem:s0+$0x0];
	v34 =	vmul.f32 v34, v30;
	v15 =	vadd.f32 v28, v15  }
0xd7: {  	s20 =	sadd.s32 s5, s19;
	v62 =	vld [tilespmem:s18+$0x0];
	v48 =	vmul.f32 v36, v35;
	v10 =	vadd.f32 v63, v10;
	(xrf2) =	vadd.scan.msk.f32 $0xffff, v14  }
0xd8: {  	s21 =	sadd.s32 s9, s21;
	v3 =	vadd.f32 v23, v3;
	s28 =	rddreg [dreg:$0x16];
	v47 =	vld [tilespmem:s20+$0x0];
	v50 =	vmul.f32 v38, v37;
	v11 =	vadd.f32 v34, v11;
	(xrf2) =	vadd.scan.msk.f32 $0xffff, v15  }
0xd9: {  	v19 =	vmul.f32 v21, v19;
	s1 =	sadd.s32 s5, s21;
	s0 =	sadd.s32 s9, s28;
	v33 =	vld [tilespmem:s10+$0x1980];
	v52 =	vmul.f32 v40, v39;
	v12 =	vadd.f32 v48, v12;
	(xrf2) =	vadd.scan.msk.f32 $0xffff, v10  }
0xda: {  	v20 =	vmul.f32 v22, v20;
	v51 =	vld [tilespmem:s1+$0x0];
	s0 =	sadd.s32 s5, s0;
	v54 =	vmul.f32 v42, v41;
	v13 =	vadd.f32 v50, v13;
	(xrf2) =	vadd.scan.msk.f32 $0xffff, v11  }
0xdb: {  	s31 =	sadd.s32 s9, s17;
	v16 =	vadd.f32 v19, v16;
	v59 =	vld [tilespmem:s0+$0x0];
	v56 =	vmul.f32 v44, v43;
	v8 =	vadd.f32 v52, v8;
	(xrf2) =	vadd.scan.msk.f32 $0xffff, v12  }
0xdc: {  	s0 =	sadd.s32 s5, s31;
	v58 =	vmul.f32 v46, v45;
	v60 =	vmul.f32 v62, v61;
	v61 =	vld [tilespmem:s10+$0x1B80];
	v9 =	vadd.f32 v54, v9;
	(xrf2) =	vadd.scan.msk.f32 $0xffff, v13  }
0xdd: {  	v17 =	vadd.f32 v20, v17;
	v63 =	vld [tilespmem:s0+$0x0];
	v7 =	vadd.f32 v56, v7;
	(xrf2) =	vadd.scan.msk.f32 $0xffff, v8  }
0xde: {  	v18 =	vmul.f32 v24, v18;
	v6 =	vadd.f32 v58, v6;
	v62 =	vmul.f32 v47, v33;
	(xrf2) =	vadd.scan.msk.f32 $0xffff, v9  }
0xdf: {  	v24 =	vmul.f32 v26, v25;
	v3 =	vadd.f32 v60, v3;
	v14 =	vmul.f32 v51, v49;
	(xrf2) =	vadd.scan.msk.f32 $0xffff, v7  }
0xe0: {  	v5 =	vadd.f32 v18, v5;
	v10 =	vmul.f32 v55, v53;
	v25 =	vadd.f32 v62, v16;
	(xrf2) =	vadd.scan.msk.f32 $0xffff, v6  }
0xe1: {  	v4 =	vadd.f32 v24, v4;
	v27 =	vmul.f32 v59, v57;
	v26 =	vadd.f32 v14, v17;
	v28, _, _ =	vpop (xrf2);
	(xrf2) =	vadd.scan.msk.f32 $0xffff, v3  }
0xe2: {  	v32 =	vmul.f32 v63, v61;
	v3 =	vadd.f32 v10, v5;
	v29, _, _ =	vpop (xrf2);
	(xrf2) =	vadd.scan.msk.f32 $0xffff, v25  }
0xe3: {  	v4 =	vadd.f32 v27, v4;
	v30 =	vbroadcast v28, $0xF;
	v5 =	vbroadcast v29, $0xF;
	v31, _, _ =	vpop (xrf2);
	(xrf2) =	vadd.scan.msk.f32 $0xffff, v26  }
0xe4: {  	v2 =	vadd.f32 v32, v2;
	v33 =	vbroadcast v31, $0xF;
	v34, _, _ =	vpop (xrf2);
	(xrf2) =	vadd.scan.msk.f32 $0xffff, v3  }
0xe5: {  	v3 =	vadd.f32 v30, v1;
	v5 =	vadd.f32 v5, v1;
	v35 =	vbroadcast v34, $0xF;
	v36, _, _ =	vpop (xrf2);
	(xrf2) =	vadd.scan.msk.f32 $0xffff, v4  }
0xe6: {  	v37, _, _ =	vpop (xrf2);
	v38 =	vadd.f32 v33, v1;
	v39 =	vbroadcast v36, $0xF  }
0xe7: {  	v40, _, _ =	vpop (xrf2);
	v3 =	vsel vm0, v3, v5;
	v41 =	vadd.f32 v35, v1;
	v4 =	vbroadcast v37, $0xF  }
0xe8: {  	(xrf2) =	vadd.scan.msk.f32 $0xffff, v2;
	v3 =	vsel vm1, v3, v38;
	v42 =	vadd.f32 v39, v1;
	v43 =	vbroadcast v40, $0xF;
	v44, _, _ =	vpop (xrf2)  }
0xe9: {  	v2, _, _ =	vpop (xrf2);
	v3 =	vsel vm2, v3, v41;
	v4 =	vadd.f32 v4, v1;
	v45 =	vbroadcast v44, $0xF  }
0xea: {  	v46, _, _ =	vpop (xrf2);
	v3 =	vsel vm3, v3, v42;
	v47 =	vadd.f32 v43, v1;
	v2 =	vbroadcast v2, $0xF  }
0xeb: {  	v48, _, _ =	vpop (xrf2);
	v3 =	vsel vm4, v3, v4;
	v49 =	vadd.f32 v45, v1;
	v50 =	vbroadcast v46, $0xF  }
0xec: {  	v51, _, _ =	vpop (xrf2);
	v3 =	vsel vm5, v3, v47;
	v2 =	vadd.f32 v2, v1;
	v52 =	vbroadcast v48, $0xF  }
0xed: {  	v53, _, _ =	vpop (xrf2);
	v3 =	vsel vm6, v3, v49;
	v54 =	vadd.f32 v50, v1;
	v55 =	vbroadcast v51, $0xF  }
0xee: {  	v56, _, _ =	vpop (xrf2);
	v2 =	vsel vm7, v3, v2;
	v3 =	vadd.f32 v52, v1;
	v57 =	vbroadcast v53, $0xF  }
0xef: {  	v58, _, _ =	vpop (xrf2);
	v2 =	vsel vm8, v2, v54;
	v59 =	vadd.f32 v55, v1;
	v60 =	vbroadcast v56, $0xF  }
0xf0: {  	s25 =	sadd.s32 $0x1, s25;
	v2 =	vsel vm9, v2, v3;
	v3 =	vadd.f32 v57, v1;
	v61 =	vbroadcast v58, $0xF  }
0xf1: {  	p0 =	sne.s32 s25, $0x3;
	v2 =	vsel vm10, v2, v59;
	v62 =	vadd.f32 v60, v1  }
.Ltmp3:
0xf2: {  	v63, _, _ =	vpop (xrf2);
	v2 =	vsel vm11, v2, v3;
	v3 =	vadd.f32 v61, v1;
	(pc) =	sbr.rel @p0 .LBB2_3-.Ltmp3, $4  }
0xf3: {  	v1 =	vadd.f32 v63, v1;
	v2 =	vsel vm12, v2, v62  }
0xf4: {  	v2 =	vsel vm13, v2, v3  }
0xf5: {  	v1 =	vsel vm15, v2, v1  }
0xf6: {  	[tilespmem:s26+$0x1A80] =	vst v1  }
0xf7: {  	s0 =	sld [smem:$0x7FA];
	_ =	sdelay $0x1  }
0xf8: {  	p0 =	seq.s32 s22, $0x4  }
0xf9: {  	s0 =	sadd.s32 @!p0 s23, s0  }
0xfa: {  	s0 =	sshrl.u32 @!p0 s0, $0x3  }
0xfb: {  	[smem:$0x7F5] =	sst s22;
	s0 =	smul.u32 @!p0 $0x300, s0  }
0xfc: {  	s1 =	rddreg [dreg:$0x1];
	s31 =	simm.s32 $0x2  }
0xfd: {  	s2 =	simm.s32 @!p0 $0x1C80;
	s0 =	sadd.s32 @!p0 s1, s0;
	s1 =	simm.s32 @!p0 $0x0  }
0xfe: {  	[tilespmem:s2], [sflag:$0x1] =	stream.linear.gather @!p0 [hbm4b:s0+s1], $0x9000, $0x38;
	[tilespmem:$0x13C80] =	vst v63  }
0xff: {  	_ =	swait.ge [sflag:s31], $0x9000  }
0x100: {  	s24 =	sadd.s32 $0x30, s23;
	[sflag:s31] =	ssyncset.done $0x0  }
0x101: {  	s25 =	simm.s32 $0x0;
	s26 =	simm.s32 $0x0;
	v0 =	vmov s24;
	[sflag:s31] =	ssyncadd.s32 $0xFFFF7000  }
.LBB2_7:
0x102: {  	_ =	sdelay $0x2  }
0x103: {  	s28 =	sshll.u32 s26, $0x4  }
0x104: {  	v1 =	vld.idx.msk [tilespmem:v0+s28+$0x1880 ss:$0x1], $0xffff;
	_ =	sdelay $0x4  }
0x105: {  	vm14 =	vcmask $0x308;
	v2 =	vnsel vm0, $0x0, v1  }
0x106: {  	v3 =	vsel vm14, $0x0, v1;
	vm14 =	vcmask $0x70C;
	v2 =	vxor.u32 $0x80000000, v2  }
0x107: {  	(xrf0) =	vmax.scan.msk.u32 $0xffff, v2;
	v2 =	vxor.u32 $0x80000000, v3;
	v3 =	vsel vm14, $0x0, v1;
	vm14 =	vcmask $0xB10  }
0x108: {  	(xrf0) =	vmax.scan.msk.u32 $0xffff, v2;
	v2 =	vxor.u32 $0x80000000, v3;
	v3 =	vsel vm14, $0x0, v1  }
0x109: {  	vm14 =	vcmask $0xF14;
	(xrf0) =	vmax.scan.msk.u32 $0xffff, v2;
	v2 =	vxor.u32 $0x80000000, v3  }
0x10a: {  	v3 =	vsel vm14, $0x0, v1;
	(xrf0) =	vmax.scan.msk.u32 $0xffff, v2  }
0x10b: {  	vm14 =	vcmask $0x1318;
	v2 =	vxor.u32 $0x80000000, v3  }
0x10c: {  	v3 =	vsel vm14, $0x0, v1;
	vm14 =	vcmask $0x171C;
	(xrf0) =	vmax.scan.msk.u32 $0xffff, v2  }
0x10d: {  	v2 =	vxor.u32 $0x80000000, v3;
	v3 =	vsel vm14, $0x0, v1;
	vm14 =	vcmask $0x1B20;
	v4, _, _ =	vpop (xrf0)  }
0x10e: {  	(xrf0) =	vmax.scan.msk.u32 $0xffff, v2;
	v2 =	vxor.u32 $0x80000000, v3;
	v3 =	vsel vm14, $0x0, v1;
	(v2sf) =	vpush v4, $0xF;
	v4, _, _ =	vpop (xrf0)  }
0x10f: {  	vm14 =	vcmask $0x1F24;
	(xrf0) =	vmax.scan.msk.u32 $0xffff, v2;
	v2 =	vxor.u32 $0x80000000, v3;
	(v2sf) =	vpush v4, $0xF;
	v4, _, _ =	vpop (xrf0)  }
0x110: {  	v3 =	vsel vm14, $0x0, v1;
	vm14 =	vcmask $0x2328;
	(v2sf) =	vpush v4, $0xF;
	v4, _, _ =	vpop (xrf0)  }
0x111: {  	(xrf0) =	vmax.scan.msk.u32 $0xffff, v2;
	v2 =	vxor.u32 $0x80000000, v3;
	v3 =	vsel vm14, $0x0, v1;
	(v2sf) =	vpush v4, $0xF  }
0x112: {  	vm14 =	vcmask $0x272C;
	(xrf0) =	vmax.scan.msk.u32 $0xffff, v2;
	v2 =	vxor.u32 $0x80000000, v3;
	v4, _, _ =	vpop (xrf0)  }
0x113: {  	v3 =	vsel vm14, $0x0, v1;
	vm14 =	vcmask $0x2B30;
	(v2sf) =	vpush v4, $0xF  }
0x114: {  	(xrf0) =	vmax.scan.msk.u32 $0xffff, v2;
	v2 =	vxor.u32 $0x80000000, v3;
	v3 =	vsel vm14, $0x0, v1;
	v4, _, _ =	vpop (xrf0)  }
0x115: {  	vm14 =	vcmask $0x2F34;
	(xrf0) =	vmax.scan.msk.u32 $0xffff, v2;
	v2 =	vxor.u32 $0x80000000, v3;
	(v2sf) =	vpush v4, $0xF;
	v4, _, _ =	vpop (xrf0)  }
0x116: {  	v3 =	vsel vm14, $0x0, v1;
	vm14 =	vcmask $0x3338;
	(v2sf) =	vpush v4, $0xF  }
0x117: {  	(xrf0) =	vmax.scan.msk.u32 $0xffff, v2;
	v2 =	vxor.u32 $0x80000000, v3;
	v3 =	vsel vm14, $0x0, v1  }
0x118: {  	s8 =	smul.u32 $0xC000, s26;
	_ =	sdelay $0x1  }
0x119: {  	s8 =	sshra.s32 s8, $0x2;
	(xrf0) =	vmax.scan.msk.u32 $0xffff, v2;
	v2 =	vxor.u32 $0x80000000, v3;
	v3, _, _ =	vpop (xrf0)  }
0x11a: {  	s17 =	sadd.s32 $0xAC80, s8;
	(v2sf) =	vpush v3, $0xF  }
0x11b: {  	s8 =	sadd.s32 $0xC480, s8;
	[dreg:$0x18] =	wrdreg s17  }
0x11c: {  	[smem:$0x7ED] =	sst s8;
	(xrf0) =	vmax.scan.msk.u32 $0xffff, v2;
	v2, _, _ =	vpop (xrf0);
	s6 =	spop (v2sf)  }
0x11d: {  	(v2sf) =	vpush v2, $0xF;
	s10 =	spop (v2sf);
	s16 =	sshrl.u32 s6, $0x3;
	s6 =	sshll.u32 s6, $0x7  }
0x11e: {  	v3, _, _ =	vpop (xrf0);
	s11 =	spop (v2sf);
	s16 =	smul.u32 $0x6000, s16;
	s18 =	sshrl.u32 s10, $0x3  }
0x11f: {  	(v2sf) =	vpush v3, $0xF;
	s6 =	sand.u32 $0x380, s6;
	s10 =	sshll.u32 s10, $0x7;
	s12 =	spop (v2sf)  }
0x120: {  	v2, _, _ =	vpop (xrf0);
	s18 =	smul.u32 $0x6000, s18;
	s10 =	sand.u32 $0x380, s10;
	s22 =	sshrl.u32 s11, $0x3  }
0x121: {  	(v2sf) =	vpush v2, $0xF;
	s19 =	sshll.u32 s11, $0x7;
	s13 =	spop (v2sf);
	s16 =	sshra.s32 s16, $0x2  }
0x122: {  	v3, _, _ =	vpop (xrf0);
	s20 =	sshrl.u32 s12, $0x3;
	s21 =	sshra.s32 s18, $0x2;
	s18 =	smul.u32 $0x6000, s22  }
0x123: {  	v2, _, _ =	vpop (xrf0);
	(v2sf) =	vpush v3, $0xF;
	s15 =	spop (v2sf);
	s6 =	sor.u32 s6, s16;
	s11 =	smul.u32 $0x6000, s20  }
0x124: {  	vm14 =	vcmask $0x373C;
	(v2sf) =	vpush v2, $0xF;
	v2, _, _ =	vpop (xrf0);
	s22 =	sshrl.u32 s13, $0x3;
	s13 =	sshll.u32 s13, $0x7;
	s9 =	spop (v2sf)  }
0x125: {  	(v2sf) =	vpush v2, $0xF;
	v2 =	vsel vm14, $0x0, v1;
	[dreg:$0x19] =	wrdreg s6;
	s16 =	sor.u32 s10, s21;
	s6 =	sand.u32 $0x380, s19  }
0x126: {  	v2 =	vxor.u32 $0x80000000, v2;
	s21 =	sshll.u32 s12, $0x7;
	s12 =	smul.u32 $0x6000, s22;
	s17 =	sshrl.u32 s15, $0x3  }
0x127: {  	(xrf0) =	vmax.scan.msk.u32 $0xffff, v2;
	s19 =	sshll.u32 s15, $0x7;
	[dreg:$0x1a] =	wrdreg s16;
	s10 =	sshra.s32 s18, $0x2  }
0x128: {  	s11 =	sshra.s32 s11, $0x2;
	s18 =	smul.u32 $0x6000, s17;
	s20 =	sshrl.u32 s9, $0x3  }
0x129: {  	s9 =	sshll.u32 s9, $0x7;
	s31 =	rddreg [dreg:$0x19];
	s7 =	spop (v2sf)  }
0x12a: {  	s6 =	sor.u32 s6, s10;
	s10 =	sand.u32 $0x380, s21;
	s16 =	sshra.s32 s12, $0x2  }
0x12b: {  	s21 =	smul.u32 $0x6000, s20;
	s9 =	sand.u32 $0x380, s9;
	s30 =	rddreg [dreg:$0x1a]  }
0x12c: {  	s5 =	spop (v2sf);
	[dreg:$0x1b] =	wrdreg s6;
	s11 =	sor.u32 s10, s11  }
0x12d: {  	v2, _, _ =	vpop (xrf0);
	s10 =	sand.u32 $0x380, s13;
	s22 =	sshrl.u32 s7, $0x3;
	s7 =	sshll.u32 s7, $0x7  }
0x12e: {  	(v2sf) =	vpush v2, $0xF;
	s4 =	spop (v2sf);
	[dreg:$0x1c] =	wrdreg s11;
	s10 =	sor.u32 s10, s16  }
0x12f: {  	s11 =	sshra.s32 s18, $0x2;
	s13 =	smul.u32 $0x6000, s22;
	s7 =	sand.u32 $0x380, s7  }
0x130: {  	s15 =	sshrl.u32 s5, $0x3;
	s5 =	sshll.u32 s5, $0x7;
	s3 =	spop (v2sf)  }
0x131: {  	[dreg:$0x1d] =	wrdreg s10;
	s10 =	sand.u32 $0x380, s19;
	s16 =	smul.u32 $0x6000, s15  }
0x132: {  	s17 =	sshrl.u32 s4, $0x3;
	s5 =	sand.u32 $0x380, s5;
	s4 =	sshll.u32 s4, $0x7  }
0x133: {  	s2 =	spop (v2sf);
	s10 =	sor.u32 s10, s11;
	s11 =	sshra.s32 s21, $0x2  }
0x134: {  	v2 =	vsel vm15, $0x0, v1;
	s4 =	sand.u32 $0x380, s4;
	s19 =	sshrl.u32 s3, $0x3;
	s3 =	sshll.u32 s3, $0x7  }
0x135: {  	v2 =	vxor.u32 $0x80000000, v2;
	s1 =	spop (v2sf);
	[dreg:$0x1e] =	wrdreg s10;
	s9 =	sor.u32 s9, s11  }
0x136: {  	(xrf0) =	vmax.scan.msk.u32 $0xffff, v2;
	s10 =	sshra.s32 s13, $0x2;
	s20 =	smul.u32 $0x6000, s19;
	s19 =	rddreg [dreg:$0x19]  }
0x137: {  	s21 =	sshrl.u32 s2, $0x3;
	[dreg:$0x1f] =	wrdreg s9;
	s7 =	sor.u32 s7, s10  }
0x138: {  	s9 =	smul.u32 $0x6000, s17;
	[smem:$0x7EC] =	sst s7;
	s7 =	sshra.s32 s16, $0x2  }
0x139: {  	s3 =	sand.u32 $0x380, s3;
	s17 =	rddreg [dreg:$0x18];
	s5 =	sor.u32 s5, s7  }
0x13a: {  	s2 =	sshll.u32 s2, $0x7;
	s18 =	sshra.s32 s9, $0x2;
	[smem:$0x7EE] =	sst s5  }
0x13b: {  	s4 =	sor.u32 s4, s18;
	s5 =	sshra.s32 s20, $0x2;
	s20 =	rddreg [dreg:$0x1a]  }
0x13c: {  	s0 =	spop (v2sf);
	s22 =	sshrl.u32 s1, $0x3;
	v2, _, _ =	vpop (xrf0);
	[smem:$0x7EF] =	sst s4  }
0x13d: {  	s2 =	sand.u32 $0x380, s2;
	s4 =	smul.u32 $0x6000, s21;
	s6 =	spop (v2sf);
	(v2sf) =	vpush v2, $0xF  }
0x13e: {  	s3 =	sor.u32 s3, s5;
	s5 =	smul.u32 $0x6000, s22;
	s21 =	rddreg [dreg:$0x1b]  }
0x13f: {  	s1 =	sshll.u32 s1, $0x7;
	s22 =	rddreg [dreg:$0x1f];
	s4 =	sshra.s32 s4, $0x2  }
0x140: {  	s2 =	sor.u32 s2, s4;
	s4 =	sshra.s32 s5, $0x2;
	s5 =	sshrl.u32 s0, $0x3  }
0x141: {  	s1 =	sand.u32 $0x380, s1;
	[smem:$0x7F0] =	sst s3;
	s7 =	smul.u32 $0x6000, s5  }
0x142: {  	s0 =	sshll.u32 s0, $0x7;
	s1 =	sor.u32 s1, s4;
	s10 =	sshrl.u32 s6, $0x3  }
0x143: {  	s0 =	sand.u32 $0x380, s0;
	s9 =	sshra.s32 s7, $0x2;
	s11 =	smul.u32 $0x6000, s10  }
0x144: {  	[smem:$0x7F2] =	sst s1;
	s13 =	sshll.u32 s6, $0x7;
	s0 =	sor.u32 s0, s9  }
0x145: {  	[smem:$0x7F3] =	sst s0;
	s0 =	sand.u32 $0x380, s13;
	s1 =	sshra.s32 s11, $0x2  }
0x146: {  	[smem:$0x7F1] =	sst s2;
	s7 =	sand.u32 $0x1C00, s25;
	s0 =	sor.u32 s0, s1  }
0x147: {  	s5 =	sand.u32 $0x70, s25;
	[smem:$0x7EB] =	sst s0;
	s0 =	sadd.s32 s7, s17  }
0x148: {  	s6 =	rddreg [dreg:$0x1c];
	s29 =	sadd.s32 s5, s0  }
0x149: {  	s9 =	rddreg [dreg:$0x1e];
	v2 =	vld [tilespmem:s29+$0x1B80]  }
0x14a: {  	s10 =	sld [smem:$0x7F2];
	v4 =	vld [tilespmem:s29+$0x0]  }
0x14b: {  	s11 =	sld [smem:$0x7EC];
	v5 =	vld [tilespmem:s29+$0x80]  }
0x14c: {  	s13 =	sld [smem:$0x7F3];
	v6 =	vld [tilespmem:s29+$0x100];
	s8 =	spop (v2sf)  }
0x14d: {  	s4 =	sadd.s32 s7, s21;
	s17 =	sld [smem:$0x7F0];
	v7 =	vld [tilespmem:s29+$0x180];
	s12 =	sshrl.u32 s8, $0x3  }
0x14e: {  	v12 =	vld [tilespmem:s29+$0x200];
	s3 =	sshll.u32 s8, $0x7;
	s8 =	rddreg [dreg:$0x1d];
	s2 =	smul.u32 $0x6000, s12  }
0x14f: {  	v16 =	vld [tilespmem:s29+$0x280];
	s15 =	sand.u32 $0x380, s3;
	s3 =	sadd.s32 s7, s20;
	s20 =	sadd.s32 s7, s8  }
0x150: {  	v18 =	vld [tilespmem:s29+$0x300];
	s12 =	sld [smem:$0x7ED];
	s3 =	sadd.s32 s5, s3;
	s21 =	sadd.s32 s5, s20  }
0x151: {  	v20 =	vld [tilespmem:s29+$0x380];
	s20 =	sadd.s32 s7, s17;
	s17 =	sld [smem:$0x7F2];
	s2 =	sshra.s32 s2, $0x2  }
0x152: {  	v9 =	vld [tilespmem:s3+$0x0];
	s3 =	rddreg [dreg:$0x1b];
	s16 =	sor.u32 s15, s2  }
0x153: {  	v25 =	vld [tilespmem:s29+$0x1900];
	[smem:$0x7F4] =	sst s16  }
0x154: {  	v13 =	vld [tilespmem:s21+$0x0];
	s21 =	sadd.s32 s5, s20;
	s16 =	sld [smem:$0x7EF]  }
0x155: {  	s2 =	sadd.s32 s7, s19;
	s19 =	sadd.s32 s5, s4;
	v26 =	vld [tilespmem:s21+$0x0];
	s18 =	sld [smem:$0x7F4]  }
0x156: {  	s22 =	sadd.s32 s7, s22;
	s15 =	sld [smem:$0x7EE];
	s2 =	sadd.s32 s5, s2;
	v10 =	vld [tilespmem:s19+$0x0]  }
0x157: {  	s4 =	sadd.s32 s7, s11;
	v8 =	vld [tilespmem:s2+$0x0];
	s2 =	sadd.s32 s5, s22;
	s16 =	sadd.s32 s7, s16  }
0x158: {  	s21 =	sld [smem:$0x7F1];
	v19 =	vld [tilespmem:s2+$0x0];
	s1 =	sadd.s32 s7, s18;
	s19 =	sadd.s32 s5, s16  }
0x159: {  	s2 =	rddreg [dreg:$0x1c];
	v5 =	vmul.f32 v9, v5;
	s0 =	sadd.s32 s5, s1;
	s1 =	sadd.s32 s7, s6;
	v9 =	vld [tilespmem:s19+$0x0]  }
0x15a: {  	s8 =	sadd.s32 s7, s15;
	s15 =	rddreg [dreg:$0x1f];
	v3 =	vld [tilespmem:s0+$0x0];
	s1 =	sadd.s32 s5, s1  }
0x15b: {  	s18 =	sld [smem:$0x7F1];
	s6 =	sadd.s32 s7, s12;
	s12 =	sadd.s32 s5, s8;
	v11 =	vld [tilespmem:s1+$0x0]  }
0x15c: {  	s16 =	sld [smem:$0x7EC];
	s0 =	sadd.s32 s7, s9;
	s11 =	sadd.s32 s5, s6;
	v23 =	vld [tilespmem:s12+$0x0]  }
0x15d: {  	s8 =	sld [smem:$0x7ED];
	s0 =	sadd.s32 s5, s0;
	v22 =	vld [tilespmem:s11+$0x0]  }
0x15e: {  	s19 =	sadd.s32 s7, s13;
	s13 =	sld [smem:$0x7F3];
	v4 =	vmul.f32 v8, v4;
	s1 =	sadd.s32 s5, s4;
	v17 =	vld [tilespmem:s0+$0x0]  }
0x15f: {  	v6 =	vmul.f32 v10, v6;
	s9 =	sld [smem:$0x7EB];
	v21 =	vld [tilespmem:s1+$0x0];
	v2 =	vmul.f32 v3, v2;
	v3 =	vimm.f32 $0.0e+00  }
0x160: {  	v24 =	vld [tilespmem:s29+$0x1880];
	s12 =	sld [smem:$0x7EE];
	v14 =	vadd.f32 v4, v3;
	v4 =	vmul.f32 v11, v7;
	v15 =	vadd.f32 v5, v3  }
0x161: {  	s6 =	sld [smem:$0x7F0];
	v10 =	vadd.f32 v6, v3;
	v5 =	vmul.f32 v13, v12;
	v6 =	vmul.f32 v19, v18  }
0x162: {  	v1 =	vld.idx.msk [tilespmem:v1+s14+$0x0], $0xffff;
	s10 =	sadd.s32 s7, s10;
	s4 =	rddreg [dreg:$0x1e];
	v7 =	vmul.f32 v23, v22;
	v23 =	vmul.f32 v26, v25  }
0x163: {  	s20 =	sadd.s32 s5, s10;
	s11 =	sld [smem:$0x7EF];
	v19 =	vld [tilespmem:s29+$0x1980];
	v2 =	vadd.f32 v2, v3;
	v11 =	vadd.f32 v4, v3;
	v4 =	vmul.f32 v17, v16  }
0x164: {  	s28 =	sadd.s32 s28, s24;
	s22 =	sadd.s32 s7, s18;
	s0 =	rddreg [dreg:$0x1d];
	v22 =	vld [tilespmem:s20+$0x0];
	v12 =	vadd.f32 v5, v3;
	v5 =	vmul.f32 v21, v20;
	v8 =	vadd.f32 v6, v3  }
0x165: {  	s1 =	simm.s32 $0x10;
	s18 =	sadd.s32 s5, s22;
	s7 =	sadd.s32 s7, s9;
	v18 =	vld [tilespmem:s29+$0x1A80];
	v7 =	vadd.f32 v7, v3;
	v13 =	vadd.f32 v4, v3;
	v4 =	vmul.f32 v9, v24  }
0x166: {  	s9 =	sadd.s32 s5, s19;
	s10 =	sadd.s32 s5, s7;
	s5 =	sld [smem:$0x7F4];
	v21 =	vld [tilespmem:s18+$0x0];
	v16 =	vimm.f32 $0.0e+00;
	v17 =	vimm.f32 $0.0e+00;
	v9 =	vadd.f32 v5, v3  }
0x167: {  	s7 =	simm.s32 $0x80;
	s20 =	simm.s32 $0x20;
	v20 =	vld [tilespmem:s29+$0x1A00];
	s18 =	rddreg [dreg:$0x18];
	v5 =	vimm.f32 $0.0e+00;
	v6 =	vadd.f32 v4, v3;
	v4 =	vimm.f32 $0.0e+00  }
.LBB2_8:
0x168: {  	s19 =	sand.u32 $0x1C00, s7  }
0x169: {  	v24 =	vld [tilespmem:s9+$0x0];
	s1 =	sand.u32 $0x70, s1;
	s3 =	sadd.s32 s19, s3  }
0x16a: {  	v3 =	vadd.f32 v23, v3;
	v23 =	vld [tilespmem:s10+$0x0];
	s4 =	sadd.s32 s19, s4;
	s3 =	sadd.s32 s1, s3  }
0x16b: {  	s4 =	sadd.s32 s1, s4;
	v59 =	vld [tilespmem:s3+$0x0]  }
0x16c: {  	s22 =	sld [smem:$0x7EB];
	s9 =	sadd.s32 s19, s18;
	v60 =	vld [tilespmem:s4+$0x0]  }
0x16d: {  	s18 =	sadd.s32 s19, s31;
	s5 =	sadd.s32 s19, s5;
	v19 =	vmul.f32 v21, v19;
	v21 =	vld [tilespmem:s29+$0x1B00];
	s29 =	sadd.s32 s1, s9  }
0x16e: {  	s2 =	sadd.s32 s19, s2;
	s0 =	sadd.s32 s19, s0;
	s5 =	sadd.s32 s1, s5;
	v25 =	vld [tilespmem:s29+$0x1B80]  }
0x16f: {  	s10 =	sadd.s32 s19, s15;
	s8 =	sadd.s32 s19, s8;
	s12 =	sadd.s32 s19, s12;
	v16 =	vadd.f32 v19, v16;
	v19 =	vmul.f32 v22, v20;
	v20 =	vld [tilespmem:s5+$0x0]  }
0x170: {  	s11 =	sadd.s32 s19, s11;
	s6 =	sadd.s32 s19, s6;
	s15 =	sadd.s32 s19, s21;
	v18 =	vmul.f32 v24, v18;
	v58 =	vld [tilespmem:s29+$0x100]  }
0x171: {  	s21 =	sadd.s32 s19, s13;
	s9 =	sadd.s32 s19, s30;
	v22 =	vld [tilespmem:s29+$0x0];
	s5 =	sadd.s32 s19, s16  }
0x172: {  	s16 =	sadd.s32 s19, s17;
	s19 =	sadd.s32 s19, s22;
	s22 =	sadd.s32 s1, s18;
	v5 =	vadd.f32 v18, v5;
	v17 =	vadd.f32 v19, v17;
	v19 =	vld [tilespmem:s29+$0x80];
	v18 =	vmul.f32 v23, v21  }
0x173: {  	s9 =	sadd.s32 s1, s9;
	v23 =	vld [tilespmem:s22+$0x0]  }
0x174: {  	v20 =	vmul.f32 v20, v25;
	v4 =	vadd.f32 v18, v4;
	v18 =	vld [tilespmem:s9+$0x0]  }
0x175: {  	s2 =	sadd.s32 s1, s2;
	v21 =	vld [tilespmem:s29+$0x180]  }
0x176: {  	v2 =	vadd.f32 v20, v2;
	v20 =	vld [tilespmem:s2+$0x0]  }
0x177: {  	s0 =	sadd.s32 s1, s0;
	v26 =	vld [tilespmem:s29+$0x200]  }
0x178: {  	s12 =	sadd.s32 s1, s12;
	v22 =	vmul.f32 v23, v22;
	v23 =	vld [tilespmem:s0+$0x0]  }
0x179: {  	s31 =	rddreg [dreg:$0x19];
	v61 =	vld [tilespmem:s12+$0x0];
	v18 =	vmul.f32 v18, v19  }
0x17a: {  	s3 =	rddreg [dreg:$0x1b];
	v19 =	vld [tilespmem:s29+$0x280];
	v14 =	vadd.f32 v22, v14  }
0x17b: {  	s4 =	rddreg [dreg:$0x1e];
	s18 =	sadd.s32 s1, s10;
	v22 =	vmul.f32 v59, v58;
	v15 =	vadd.f32 v18, v15;
	v18 =	vmul.f32 v20, v21;
	v20 =	vld [tilespmem:s29+$0x300]  }
0x17c: {  	s13 =	sadd.s32 s1, s15;
	s15 =	rddreg [dreg:$0x1f];
	v21 =	vld [tilespmem:s18+$0x0]  }
0x17d: {  	s30 =	rddreg [dreg:$0x1a];
	s22 =	sadd.s32 s1, s5;
	v10 =	vadd.f32 v22, v10;
	v22 =	vld [tilespmem:s29+$0x380];
	v11 =	vadd.f32 v18, v11;
	v18 =	vmul.f32 v23, v26  }
0x17e: {  	s11 =	sadd.s32 s1, s11;
	s12 =	sld [smem:$0x7EE];
	v23 =	vld [tilespmem:s22+$0x0]  }
0x17f: {  	s8 =	sadd.s32 s1, s8;
	v62 =	vld [tilespmem:s11+$0x0];
	s11 =	sld [smem:$0x7EF];
	v12 =	vadd.f32 v18, v12;
	v18 =	vmul.f32 v60, v19  }
0x180: {  	s17 =	sadd.s32 s1, s6;
	s6 =	sld [smem:$0x7F0];
	v19 =	vld [tilespmem:s8+$0x0]  }
0x181: {  	v63 =	vld [tilespmem:s17+$0x0];
	s17 =	sld [smem:$0x7F2];
	v13 =	vadd.f32 v18, v13;
	v18 =	vmul.f32 v21, v20  }
0x182: {  	s5 =	sadd.s32 s1, s16;
	s16 =	sld [smem:$0x7EC];
	v20 =	vld [tilespmem:s29+$0x1880]  }
0x183: {  	s9 =	sadd.s32 s1, s21;
	s21 =	sld [smem:$0x7F1];
	v8 =	vadd.f32 v18, v8;
	v18 =	vmul.f32 v23, v22  }
0x184: {  	p1 =	sne.s32 s20, $0x2F0;
	s2 =	rddreg [dreg:$0x1c];
	v23 =	vld [tilespmem:s29+$0x1900]  }
.Ltmp4:
0x185: {  	s0 =	rddreg [dreg:$0x1d];
	v21 =	vld [tilespmem:s13+$0x0];
	v9 =	vadd.f32 v18, v9;
	v18 =	vmul.f32 v61, v19;
	(pc) =	sbr.rel @p1 .LBB2_8-.Ltmp4, $4  }
0x186: {  	s18 =	rddreg [dreg:$0x18];
	v22 =	vld [tilespmem:s5+$0x0]  }
0x187: {  	s8 =	sld [smem:$0x7ED];
	v19 =	vld [tilespmem:s29+$0x1980];
	v7 =	vadd.f32 v18, v7;
	v18 =	vmul.f32 v62, v20  }
0x188: {  	s7 =	sadd.s32 $0x80, s7;
	s10 =	sadd.s32 s1, s19;
	s13 =	sld [smem:$0x7F3];
	v20 =	vld [tilespmem:s29+$0x1A00]  }
0x189: {  	s1 =	smov.u32 s20;
	s20 =	sadd.s32 $0x10, s20;
	s5 =	sld [smem:$0x7F4];
	v23 =	vmul.f32 v63, v23;
	v6 =	vadd.f32 v18, v6;
	v18 =	vld [tilespmem:s29+$0x1A80]  }
0x18a: {  	s7 =	sand.u32 $0x1C00, s7;
	v24 =	vld [tilespmem:s9+$0x0]  }
0x18b: {  	s1 =	sand.u32 $0x70, s1;
	v25 =	vld [tilespmem:s29+$0x1B00];
	s19 =	sadd.s32 s7, s18  }
0x18c: {  	v26 =	vld [tilespmem:s10+$0x0];
	s9 =	sadd.s32 s1, s19  }
0x18d: {  	v27 =	vld [tilespmem:s9+$0x0]  }
0x18e: {  	v28 =	vld [tilespmem:s9+$0x80]  }
0x18f: {  	s20 =	sadd.s32 s7, s31;
	v29 =	vld [tilespmem:s9+$0x100]  }
0x190: {  	s22 =	sadd.s32 s7, s30;
	s10 =	sadd.s32 s1, s20;
	v30 =	vld [tilespmem:s9+$0x180]  }
0x191: {  	s3 =	sadd.s32 s7, s3;
	s18 =	sadd.s32 s1, s22;
	v31 =	vld [tilespmem:s10+$0x0]  }
0x192: {  	s2 =	sadd.s32 s7, s2;
	s3 =	sadd.s32 s1, s3;
	v32 =	vld [tilespmem:s18+$0x0]  }
0x193: {  	s2 =	sadd.s32 s1, s2;
	v33 =	vld [tilespmem:s3+$0x0]  }
0x194: {  	s0 =	sadd.s32 s7, s0;
	v34 =	vld [tilespmem:s2+$0x0]  }
0x195: {  	s0 =	sadd.s32 s1, s0;
	v35 =	vld [tilespmem:s9+$0x200]  }
0x196: {  	s29 =	sadd.s32 s7, s4;
	v36 =	vld [tilespmem:s0+$0x0]  }
0x197: {  	s30 =	sadd.s32 s1, s29;
	v37 =	vld [tilespmem:s9+$0x280]  }
0x198: {  	v38 =	vld [tilespmem:s30+$0x0]  }
0x199: {  	v39 =	vld [tilespmem:s9+$0x300]  }
0x19a: {  	v41 =	vld [tilespmem:s9+$0x380]  }
0x19b: {  	v45 =	vld [tilespmem:s9+$0x1880]  }
0x19c: {  	v61 =	vld [tilespmem:s9+$0x1900]  }
0x19d: {  	v49 =	vld [tilespmem:s9+$0x1A00]  }
0x19e: {  	s31 =	sadd.s32 s7, s15;
	v53 =	vld [tilespmem:s9+$0x1A80]  }
0x19f: {  	s4 =	sadd.s32 s7, s16;
	s3 =	sadd.s32 s1, s31;
	v57 =	vld [tilespmem:s9+$0x1B00]  }
0x1a0: {  	s8 =	sadd.s32 s7, s8;
	s2 =	sadd.s32 s1, s4;
	v40 =	vld [tilespmem:s3+$0x0]  }
0x1a1: {  	s16 =	sadd.s32 s7, s6;
	s0 =	sadd.s32 s1, s8;
	v42 =	vld [tilespmem:s2+$0x0]  }
0x1a2: {  	s19 =	sadd.s32 s7, s21;
	s18 =	sadd.s32 s1, s16;
	v43 =	vld [tilespmem:s0+$0x0];
	v27 =	vmul.f32 v31, v27  }
0x1a3: {  	s10 =	sadd.s32 s7, s12;
	s20 =	sadd.s32 s1, s19;
	v62 =	vld [tilespmem:s18+$0x0];
	v28 =	vmul.f32 v32, v28  }
0x1a4: {  	s15 =	sadd.s32 s7, s11;
	s12 =	sadd.s32 s1, s10;
	v47 =	vld [tilespmem:s20+$0x0];
	v63 =	vmul.f32 v33, v29;
	v14 =	vadd.f32 v27, v14  }
0x1a5: {  	s22 =	sld [smem:$0x7EB];
	s29 =	sadd.s32 s7, s13;
	s0 =	sadd.s32 s1, s15;
	v44 =	vld [tilespmem:s12+$0x0];
	v34 =	vmul.f32 v34, v30;
	v15 =	vadd.f32 v28, v15  }
0x1a6: {  	s30 =	sadd.s32 s1, s29;
	v46 =	vld [tilespmem:s0+$0x0];
	v48 =	vmul.f32 v36, v35;
	v10 =	vadd.f32 v63, v10;
	(xrf2) =	vadd.scan.msk.f32 $0xffff, v14  }
0x1a7: {  	v3 =	vadd.f32 v23, v3;
	s21 =	sadd.s32 s7, s17;
	v55 =	vld [tilespmem:s30+$0x0];
	v50 =	vmul.f32 v38, v37;
	v11 =	vadd.f32 v34, v11;
	(xrf2) =	vadd.scan.msk.f32 $0xffff, v15  }
0x1a8: {  	v19 =	vmul.f32 v21, v19;
	s2 =	sadd.s32 s1, s21;
	s0 =	sadd.s32 s7, s22;
	v33 =	vld [tilespmem:s9+$0x1980];
	v52 =	vmul.f32 v40, v39;
	v12 =	vadd.f32 v48, v12;
	(xrf2) =	vadd.scan.msk.f32 $0xffff, v10  }
0x1a9: {  	v20 =	vmul.f32 v22, v20;
	v51 =	vld [tilespmem:s2+$0x0];
	s0 =	sadd.s32 s1, s0;
	v54 =	vmul.f32 v42, v41;
	v13 =	vadd.f32 v50, v13;
	(xrf2) =	vadd.scan.msk.f32 $0xffff, v11  }
0x1aa: {  	s31 =	sadd.s32 s7, s5;
	v16 =	vadd.f32 v19, v16;
	v59 =	vld [tilespmem:s0+$0x0];
	v56 =	vmul.f32 v44, v43;
	v8 =	vadd.f32 v52, v8;
	(xrf2) =	vadd.scan.msk.f32 $0xffff, v12  }
0x1ab: {  	s0 =	sadd.s32 s1, s31;
	v60 =	vmul.f32 v62, v61;
	v61 =	vld [tilespmem:s9+$0x1B80];
	v58 =	vmul.f32 v46, v45;
	v9 =	vadd.f32 v54, v9;
	(xrf2) =	vadd.scan.msk.f32 $0xffff, v13  }
0x1ac: {  	v17 =	vadd.f32 v20, v17;
	v63 =	vld [tilespmem:s0+$0x0];
	v7 =	vadd.f32 v56, v7;
	(xrf2) =	vadd.scan.msk.f32 $0xffff, v8  }
0x1ad: {  	v18 =	vmul.f32 v24, v18;
	v6 =	vadd.f32 v58, v6;
	v62 =	vmul.f32 v47, v33;
	(xrf2) =	vadd.scan.msk.f32 $0xffff, v9  }
0x1ae: {  	v24 =	vmul.f32 v26, v25;
	v3 =	vadd.f32 v60, v3;
	v14 =	vmul.f32 v51, v49;
	(xrf2) =	vadd.scan.msk.f32 $0xffff, v7  }
0x1af: {  	v5 =	vadd.f32 v18, v5;
	v10 =	vmul.f32 v55, v53;
	v25 =	vadd.f32 v62, v16;
	(xrf2) =	vadd.scan.msk.f32 $0xffff, v6  }
0x1b0: {  	v4 =	vadd.f32 v24, v4;
	v27 =	vmul.f32 v59, v57;
	v26 =	vadd.f32 v14, v17;
	v28, _, _ =	vpop (xrf2);
	(xrf2) =	vadd.scan.msk.f32 $0xffff, v3  }
0x1b1: {  	v32 =	vmul.f32 v63, v61;
	v3 =	vadd.f32 v10, v5;
	v29, _, _ =	vpop (xrf2);
	(xrf2) =	vadd.scan.msk.f32 $0xffff, v25  }
0x1b2: {  	v4 =	vadd.f32 v27, v4;
	v30 =	vbroadcast v28, $0xF;
	v5 =	vbroadcast v29, $0xF;
	v31, _, _ =	vpop (xrf2);
	(xrf2) =	vadd.scan.msk.f32 $0xffff, v26  }
0x1b3: {  	v2 =	vadd.f32 v32, v2;
	v33 =	vbroadcast v31, $0xF;
	v34, _, _ =	vpop (xrf2);
	(xrf2) =	vadd.scan.msk.f32 $0xffff, v3  }
0x1b4: {  	v3 =	vadd.f32 v30, v1;
	v5 =	vadd.f32 v5, v1;
	v35 =	vbroadcast v34, $0xF;
	v36, _, _ =	vpop (xrf2);
	(xrf2) =	vadd.scan.msk.f32 $0xffff, v4  }
0x1b5: {  	v37, _, _ =	vpop (xrf2);
	v38 =	vadd.f32 v33, v1;
	v39 =	vbroadcast v36, $0xF  }
0x1b6: {  	v40, _, _ =	vpop (xrf2);
	v3 =	vsel vm0, v3, v5;
	v41 =	vadd.f32 v35, v1;
	v4 =	vbroadcast v37, $0xF  }
0x1b7: {  	(xrf2) =	vadd.scan.msk.f32 $0xffff, v2;
	v3 =	vsel vm1, v3, v38;
	v42 =	vadd.f32 v39, v1;
	v43 =	vbroadcast v40, $0xF;
	v44, _, _ =	vpop (xrf2)  }
0x1b8: {  	v2, _, _ =	vpop (xrf2);
	v3 =	vsel vm2, v3, v41;
	v4 =	vadd.f32 v4, v1;
	v45 =	vbroadcast v44, $0xF  }
0x1b9: {  	v46, _, _ =	vpop (xrf2);
	v3 =	vsel vm3, v3, v42;
	v47 =	vadd.f32 v43, v1;
	v2 =	vbroadcast v2, $0xF  }
0x1ba: {  	v48, _, _ =	vpop (xrf2);
	v3 =	vsel vm4, v3, v4;
	v49 =	vadd.f32 v45, v1;
	v50 =	vbroadcast v46, $0xF  }
0x1bb: {  	v51, _, _ =	vpop (xrf2);
	v3 =	vsel vm5, v3, v47;
	v2 =	vadd.f32 v2, v1;
	v52 =	vbroadcast v48, $0xF  }
0x1bc: {  	v53, _, _ =	vpop (xrf2);
	v3 =	vsel vm6, v3, v49;
	v54 =	vadd.f32 v50, v1;
	v55 =	vbroadcast v51, $0xF  }
0x1bd: {  	v56, _, _ =	vpop (xrf2);
	v2 =	vsel vm7, v3, v2;
	v3 =	vadd.f32 v52, v1;
	v57 =	vbroadcast v53, $0xF  }
0x1be: {  	v58, _, _ =	vpop (xrf2);
	v2 =	vsel vm8, v2, v54;
	v59 =	vadd.f32 v55, v1;
	v60 =	vbroadcast v56, $0xF  }
0x1bf: {  	s26 =	sadd.s32 $0x1, s26;
	v2 =	vsel vm9, v2, v3;
	v3 =	vadd.f32 v57, v1;
	v61 =	vbroadcast v58, $0xF  }
0x1c0: {  	p1 =	sne.s32 s26, $0x3;
	v2 =	vsel vm10, v2, v59;
	v62 =	vadd.f32 v60, v1  }
.Ltmp5:
0x1c1: {  	v63, _, _ =	vpop (xrf2);
	v2 =	vsel vm11, v2, v3;
	v3 =	vadd.f32 v61, v1;
	(pc) =	sbr.rel @p1 .LBB2_7-.Ltmp5, $4  }
0x1c2: {  	v1 =	vadd.f32 v63, v1;
	v2 =	vsel vm12, v2, v62  }
0x1c3: {  	v2 =	vsel vm13, v2, v3  }
0x1c4: {  	v1 =	vsel vm15, v2, v1  }
0x1c5: {  	[tilespmem:s28+$0x1A80] =	vst v1  }
.Ltmp6:
0x1c6: {  	(pc) =	sbr.rel @p0 .LBB2_12-.Ltmp6, $1  }
0x1c7: {  	_ =	sdelay $0x3  }
0x1c8: {  	s0 =	sld [smem:$0x7FB];
	_ =	sdelay $0x2  }
0x1c9: {  	s0 =	sadd.s32 s23, s0  }
.Ltmp7:
0x1ca: {  	s22 =	sld [smem:$0x7F5];
	s0 =	sshrl.u32 s0, $0x3;
	(pc) =	sbr.rel .LBB2_2-.Ltmp7, $4  }
0x1cb: {  	s0 =	smul.u32 $0x300, s0  }
0x1cc: {  	s1 =	rddreg [dreg:$0x1];
	s31 =	simm.s32 $0x0  }
0x1cd: {  	s2 =	simm.s32 $0xAC80;
	s22 =	sadd.s32 $0x1, s22;
	s0 =	sadd.s32 s1, s0  }
0x1ce: {  	[tilespmem:s2], [sflag:$0x2] =	stream.linear.gather [hbm4b:s0+s31], $0x9000, $0x38;
	[tilespmem:$0x13C80] =	vst v63  }
.LBB2_13:
0x1cf: {  	_ =	sfence.sel $0x180000  }
0x1d0: {  	[bflag:$0x0] =	sbarrier.arrive $0xFFFF  }
0x1d1: {  	_ =	strace $0x90000047  }
0x1d2: {  	s0 =	stileid.u32;
	[bflag:$0x2] =	sbarrier.arrive $0xFFFF  }
0x1d3: {  	p0 =	sne.s32 s0, $0x0;
	s0 =	rddreg [dreg:$0x5]  }
0x1d4: {  	s0 =	sadd.s32 @!p0 $0x100000, s0  }
0x1d5: {  	[sflag:s0] =	ssyncadd.tile.s32 @!p0 $0x1;
	_ =	shalt  }
.Lfunc_end2:
_tile_overlayer_lowered:
.L_overlay_start_2:
0x1d6: {  	(tag) =	ssettag $0x2  }
0x1d7: {  	s0 =	rddreg [dreg:$0x0];
	s2 =	stileid.u32  }
0x1d8: {  	s1 =	rddreg [dreg:$0x1];
	p0 =	sne.s32 s2, $0x0  }
0x1d9: {  	s3 =	rddreg [dreg:$0x2];
	[bflag:$0x3] =	sbarrier.arrive $0xFFFF;
	s2 =	simm.s32 @!p0 $0x1C03  }
0x1da: {  	[timem:s3], [sflag:s2] =	dma.local @!p0 [hbm:s0], s1  }
0x1db: {  	s0 =	simm.s32 @!p0 $0x3  }
0x1dc: {  	_ =	swait.ge @!p0 [sflag:s0], s1  }
0x1dd: {  	s1 =	ssub.s32 @!p0 $0x0, s1;
	[sflag:s0] =	ssyncset.done @!p0 $0x0  }
0x1de: {  	[sflag:s0] =	ssyncadd.s32 @!p0 s1  }
0x1df: {  	[bflag:$0x3] =	sbarrier.arrive $0xFFFF  }
0x1e0: {  	_ =	shalt  }

</sc_bundles>
